<compile_context>
chip_gen: v7x
topology: tpu7x:2x2x1
jax: 0.10.2.dev20260603
libtpu: 0.0.44.dev20260713+nightly
codegen_flags: <defaults>
</compile_context>

<pallas_src>
import functools

import jax
import jax.numpy as jnp
from jax import lax
from jax.experimental import pallas as pl
from jax.experimental.pallas import tpu as pltpu
from jax.experimental.pallas import tpu_sc as plsc


@functools.lru_cache(maxsize=None)
def _make_gather(V, D, B):
    info = plsc.get_sparse_core_info()
    NC, NS, L = info.num_cores, info.num_subcores, info.num_lanes
    NW = NC * NS
    assert B % NW == 0
    b_per_w = B // NW
    CHUNK = 64
    assert b_per_w % CHUNK == 0
    n_chunks = b_per_w // CHUNK
    DP = 2 * 128
    NBUF = 6

    mesh = plsc.VectorSubcoreMesh(core_axis_name="c", subcore_axis_name="s")

    @functools.partial(
        pl.kernel,
        mesh=mesh,
        out_type=jax.ShapeDtypeStruct((B, D), jnp.float32),
        scratch_types=[
            pltpu.VMEM((b_per_w,), jnp.int32),
            pltpu.VMEM((CHUNK, D), jnp.float32),
            pltpu.VMEM((CHUNK, D), jnp.float32),
            pltpu.VMEM((CHUNK, D), jnp.float32),
            pltpu.VMEM((CHUNK, D), jnp.float32),
            pltpu.VMEM((CHUNK, D), jnp.float32),
            pltpu.VMEM((CHUNK, D), jnp.float32),
            pltpu.SemaphoreType.DMA,
            pltpu.SemaphoreType.DMA,
        ],
    )
    def k(table_hbm, idx_hbm, out_hbm,
          idx_v, buf0_v, buf1_v, buf2_v, buf3_v, buf4_v, buf5_v,
          sem_g, sem_w):
        wid = lax.axis_index("s") * NC + lax.axis_index("c")
        base = wid * b_per_w
        pltpu.sync_copy(idx_hbm.at[pl.ds(base, b_per_w)], idx_v)

        start = pl.multiple_of(wid * 0, DP)
        row_view = table_hbm.at[:, pl.ds(start, DP)]
        bufs = [buf0_v, buf1_v, buf2_v, buf3_v, buf4_v, buf5_v]

        gathers = [None] * n_chunks
        writes = [None] * n_chunks

        def fire(j):
            gathers[j] = pltpu.async_copy(
                row_view.at[idx_v.at[pl.ds(j * CHUNK, CHUNK)]],
                bufs[j % NBUF].at[:, pl.ds(start, DP)], sem_g)

        for j in range(min(NBUF, n_chunks)):
            fire(j)
        for j in range(n_chunks):
            gathers[j].wait()
            writes[j] = pltpu.async_copy(
                bufs[j % NBUF],
                out_hbm.at[pl.ds(base + j * CHUNK, CHUNK)], sem_w)
            nxt = j + NBUF
            if nxt < n_chunks:
                writes[j].wait()
                fire(nxt)
        for j in range(max(0, n_chunks - NBUF), n_chunks):
            writes[j].wait()

    return k


def kernel(batch, emb_weight):
    V, D = emb_weight.shape
    (B,) = batch.shape
    return _make_gather(V, D, B)(emb_weight, batch.astype(jnp.int32))

# --- scband reference (transcript-rebuilt; emitter-appended) ---
"""Pipeline reference for scband-deep-walk-neg-25434796326933 (READ-ONLY COPY).

The authoritative reference and input builder live on the scoring server;
editing this copy changes nothing except your own understanding.
"""

import jax, jax.numpy as jnp
import numpy as np

NUM_NODES = 100000
EMBEDDING_DIM = 64
TABLE_DIM = EMBEDDING_DIM * 2 + 1  # 129, matches Embedding(num_nodes, embedding_dim*2+1)
BATCH = 16384


def setup_inputs(seed: int = 0) -> dict:
    key = jax.random.key(seed)
    k_idx, k_emb = jax.random.split(key)
    batch = jax.random.randint(k_idx, (BATCH,), 0, NUM_NODES, dtype=jnp.int64 if jax.config.jax_enable_x64 else jnp.int32)
    # nn.Embedding default init: N(0, 1)
    emb_weight = jax.random.normal(k_emb, (NUM_NODES, TABLE_DIM), dtype=jnp.float32)
    return {"batch": batch, "emb_weight": emb_weight}


def reference(batch, emb_weight):
    # DeepWalkNeg.forward: emb.index_select(0, batch)
    return jnp.take(emb_weight, batch, axis=0)

if __name__ == "__main__":
    import jax
    _d = setup_inputs()
    print(jax.jit(kernel)(*tuple(_d.values())))

</pallas_src>

<mosaic_0001>
#map = affine_map<(d0, d1) -> (0, 0)>
#map1 = affine_map<(d0, d1) -> (0)>
module attributes {stable_mosaic.version = 14 : i64} {
  func.func @k(%arg0: i32, %arg1: i32, %arg2: memref<100000x129xf32, #tpu.memory_space<hbm>>, %arg3: memref<16384xi32, #tpu.memory_space<hbm>>, %arg4: memref<16384x129xf32, #tpu.memory_space<hbm>>, %arg5: memref<512xi32, #tpu.memory_space<vmem>>, %arg6: memref<64x129xf32, #tpu.memory_space<vmem>>, %arg7: memref<64x129xf32, #tpu.memory_space<vmem>>, %arg8: memref<64x129xf32, #tpu.memory_space<vmem>>, %arg9: memref<64x129xf32, #tpu.memory_space<vmem>>, %arg10: memref<64x129xf32, #tpu.memory_space<vmem>>, %arg11: memref<64x129xf32, #tpu.memory_space<vmem>>, %arg12: memref<!tpu.dma_semaphore, #tpu.memory_space<semaphore_mem>>, %arg13: memref<!tpu.dma_semaphore, #tpu.memory_space<semaphore_mem>>) attributes {dimension_semantics = [#tpu.dimension_semantics<core_parallel>, #tpu.dimension_semantics<subcore_parallel>], iteration_bounds = array<i64: 2, 16>, scalar_prefetch = 0 : i64, scratch_operands = 9 : i64, tpu.core_type = #tpu.core_type<sc_vector_subcore>, window_params = [{transform_indices = #map}, {transform_indices = #map1}, {transform_indices = #map}]} {
    %mul3A = arith.constant 2 : i32
    %mul3A_0 = arith.muli %arg1, %mul3A : i32
    %add3A = arith.addi %mul3A_0, %arg0 : i32
    %mul3A_1 = arith.constant 512 : i32
    %mul3A_2 = arith.muli %add3A, %mul3A_1 : i32
    "tpu.region"() ({
      %run_scoped3A = tpu.sem_alloc : memref<!tpu.dma_semaphore, #tpu.memory_space<semaphore_mem>>
      %dma_start3A_227 = tpu.memref_slice %arg3[%mul3A_2] : memref<16384xi32, #tpu.memory_space<hbm>> -> memref<512xi32, #tpu.memory_space<hbm>>
      %dma_start3A_228 = tpu.memref_slice %arg3[%mul3A_2] : memref<16384xi32, #tpu.memory_space<hbm>> -> memref<512xi32, #tpu.memory_space<hbm>>
      tpu.enqueue_dma source(%dma_start3A_228 : memref<512xi32, #tpu.memory_space<hbm>>) target(%arg5 : memref<512xi32, #tpu.memory_space<vmem>>) target_semaphore(%run_scoped3A : memref<!tpu.dma_semaphore, #tpu.memory_space<semaphore_mem>>)
      %dma_wait3A_229 = tpu.memref_slice %arg3[%mul3A_2] : memref<16384xi32, #tpu.memory_space<hbm>> -> memref<512xi32, #tpu.memory_space<hbm>>
      %dma_wait3A_230 = tpu.memref_slice %arg3[%mul3A_2] : memref<16384xi32, #tpu.memory_space<hbm>> -> memref<512xi32, #tpu.memory_space<hbm>>
      tpu.wait_dma2 semaphore(%run_scoped3A : memref<!tpu.dma_semaphore, #tpu.memory_space<semaphore_mem>>) src(%dma_wait3A_230 : memref<512xi32, #tpu.memory_space<hbm>>) dst(%arg5 : memref<512xi32, #tpu.memory_space<vmem>>)
      tpu.yield
    }) : () -> ()
    %mul3A_3 = arith.constant 0 : i32
    %mul3A_4 = arith.muli %add3A, %mul3A_3 : i32
    %multiple_of3A = tpu.assume_multiple %mul3A_4, 256 : i32
    %dma_start3A = arith.constant 0 : i32
    %dma_start3A_5 = tpu.memref_slice %arg6[%dma_start3A, %multiple_of3A] : memref<64x129xf32, #tpu.memory_space<vmem>> -> memref<64x256xf32, #tpu.memory_space<vmem>>
    %dma_start3A_6 = arith.constant 0 : i32
    %dma_start3A_7 = tpu.memref_slice %arg5[%dma_start3A_6] : memref<512xi32, #tpu.memory_space<vmem>> -> memref<64xi32, #tpu.memory_space<vmem>>
    %dma_start3A_8 = arith.constant 0 : i32
    %dma_start3A_9 = tpu.memref_slice %arg2[%dma_start3A_8, %multiple_of3A] : memref<100000x129xf32, #tpu.memory_space<hbm>> -> memref<100000x256xf32, #tpu.memory_space<hbm>>
    %dma_start3A_10 = arith.constant 0 : i32
    %dma_start3A_11 = arith.constant 0 : i32
    %dma_start3A_12 = tpu.memref_slice %dma_start3A_9[%dma_start3A_10, %dma_start3A_11] : memref<100000x256xf32, #tpu.memory_space<hbm>> -> memref<100000x256xf32, #tpu.memory_space<hbm>>
    tpu.enqueue_indirect_dma source(%dma_start3A_12 : memref<100000x256xf32, #tpu.memory_space<hbm>>) target(%dma_start3A_5 : memref<64x256xf32, #tpu.memory_space<vmem>>) offsets(%dma_start3A_7 : memref<64xi32, #tpu.memory_space<vmem>>) semaphore(%arg12 : memref<!tpu.dma_semaphore, #tpu.memory_space<semaphore_mem>>)
    %dma_start3A_13 = arith.constant 0 : i32
    %dma_start3A_14 = tpu.memref_slice %arg7[%dma_start3A_13, %multiple_of3A] : memref<64x129xf32, #tpu.memory_space<vmem>> -> memref<64x256xf32, #tpu.memory_space<vmem>>
    %dma_start3A_15 = arith.constant 64 : i32
    %dma_start3A_16 = tpu.memref_slice %arg5[%dma_start3A_15] : memref<512xi32, #tpu.memory_space<vmem>> -> memref<64xi32, #tpu.memory_space<vmem>>
    %dma_start3A_17 = arith.constant 0 : i32
    %dma_start3A_18 = tpu.memref_slice %arg2[%dma_start3A_17, %multiple_of3A] : memref<100000x129xf32, #tpu.memory_space<hbm>> -> memref<100000x256xf32, #tpu.memory_space<hbm>>
    %dma_start3A_19 = arith.constant 0 : i32
    %dma_start3A_20 = arith.constant 0 : i32
    %dma_start3A_21 = tpu.memref_slice %dma_start3A_18[%dma_start3A_19, %dma_start3A_20] : memref<100000x256xf32, #tpu.memory_space<hbm>> -> memref<100000x256xf32, #tpu.memory_space<hbm>>
    tpu.enqueue_indirect_dma source(%dma_start3A_21 : memref<100000x256xf32, #tpu.memory_space<hbm>>) target(%dma_start3A_14 : memref<64x256xf32, #tpu.memory_space<vmem>>) offsets(%dma_start3A_16 : memref<64xi32, #tpu.memory_space<vmem>>) semaphore(%arg12 : memref<!tpu.dma_semaphore, #tpu.memory_space<semaphore_mem>>)
    %dma_start3A_22 = arith.constant 0 : i32
    %dma_start3A_23 = tpu.memref_slice %arg8[%dma_start3A_22, %multiple_of3A] : memref<64x129xf32, #tpu.memory_space<vmem>> -> memref<64x256xf32, #tpu.memory_space<vmem>>
    %dma_start3A_24 = arith.constant 128 : i32
    %dma_start3A_25 = tpu.memref_slice %arg5[%dma_start3A_24] : memref<512xi32, #tpu.memory_space<vmem>> -> memref<64xi32, #tpu.memory_space<vmem>>
    %dma_start3A_26 = arith.constant 0 : i32
    %dma_start3A_27 = tpu.memref_slice %arg2[%dma_start3A_26, %multiple_of3A] : memref<100000x129xf32, #tpu.memory_space<hbm>> -> memref<100000x256xf32, #tpu.memory_space<hbm>>
    %dma_start3A_28 = arith.constant 0 : i32
    %dma_start3A_29 = arith.constant 0 : i32
    %dma_start3A_30 = tpu.memref_slice %dma_start3A_27[%dma_start3A_28, %dma_start3A_29] : memref<100000x256xf32, #tpu.memory_space<hbm>> -> memref<100000x256xf32, #tpu.memory_space<hbm>>
    tpu.enqueue_indirect_dma source(%dma_start3A_30 : memref<100000x256xf32, #tpu.memory_space<hbm>>) target(%dma_start3A_23 : memref<64x256xf32, #tpu.memory_space<vmem>>) offsets(%dma_start3A_25 : memref<64xi32, #tpu.memory_space<vmem>>) semaphore(%arg12 : memref<!tpu.dma_semaphore, #tpu.memory_space<semaphore_mem>>)
    %dma_start3A_31 = arith.constant 0 : i32
    %dma_start3A_32 = tpu.memref_slice %arg9[%dma_start3A_31, %multiple_of3A] : memref<64x129xf32, #tpu.memory_space<vmem>> -> memref<64x256xf32, #tpu.memory_space<vmem>>
    %dma_start3A_33 = arith.constant 192 : i32
    %dma_start3A_34 = tpu.memref_slice %arg5[%dma_start3A_33] : memref<512xi32, #tpu.memory_space<vmem>> -> memref<64xi32, #tpu.memory_space<vmem>>
    %dma_start3A_35 = arith.constant 0 : i32
    %dma_start3A_36 = tpu.memref_slice %arg2[%dma_start3A_35, %multiple_of3A] : memref<100000x129xf32, #tpu.memory_space<hbm>> -> memref<100000x256xf32, #tpu.memory_space<hbm>>
    %dma_start3A_37 = arith.constant 0 : i32
    %dma_start3A_38 = arith.constant 0 : i32
    %dma_start3A_39 = tpu.memref_slice %dma_start3A_36[%dma_start3A_37, %dma_start3A_38] : memref<100000x256xf32, #tpu.memory_space<hbm>> -> memref<100000x256xf32, #tpu.memory_space<hbm>>
    tpu.enqueue_indirect_dma source(%dma_start3A_39 : memref<100000x256xf32, #tpu.memory_space<hbm>>) target(%dma_start3A_32 : memref<64x256xf32, #tpu.memory_space<vmem>>) offsets(%dma_start3A_34 : memref<64xi32, #tpu.memory_space<vmem>>) semaphore(%arg12 : memref<!tpu.dma_semaphore, #tpu.memory_space<semaphore_mem>>)
    %dma_start3A_40 = arith.constant 0 : i32
    %dma_start3A_41 = tpu.memref_slice %arg10[%dma_start3A_40, %multiple_of3A] : memref<64x129xf32, #tpu.memory_space<vmem>> -> memref<64x256xf32, #tpu.memory_space<vmem>>
    %dma_start3A_42 = arith.constant 256 : i32
    %dma_start3A_43 = tpu.memref_slice %arg5[%dma_start3A_42] : memref<512xi32, #tpu.memory_space<vmem>> -> memref<64xi32, #tpu.memory_space<vmem>>
    %dma_start3A_44 = arith.constant 0 : i32
    %dma_start3A_45 = tpu.memref_slice %arg2[%dma_start3A_44, %multiple_of3A] : memref<100000x129xf32, #tpu.memory_space<hbm>> -> memref<100000x256xf32, #tpu.memory_space<hbm>>
    %dma_start3A_46 = arith.constant 0 : i32
    %dma_start3A_47 = arith.constant 0 : i32
    %dma_start3A_48 = tpu.memref_slice %dma_start3A_45[%dma_start3A_46, %dma_start3A_47] : memref<100000x256xf32, #tpu.memory_space<hbm>> -> memref<100000x256xf32, #tpu.memory_space<hbm>>
    tpu.enqueue_indirect_dma source(%dma_start3A_48 : memref<100000x256xf32, #tpu.memory_space<hbm>>) target(%dma_start3A_41 : memref<64x256xf32, #tpu.memory_space<vmem>>) offsets(%dma_start3A_43 : memref<64xi32, #tpu.memory_space<vmem>>) semaphore(%arg12 : memref<!tpu.dma_semaphore, #tpu.memory_space<semaphore_mem>>)
    %dma_start3A_49 = arith.constant 0 : i32
    %dma_start3A_50 = tpu.memref_slice %arg11[%dma_start3A_49, %multiple_of3A] : memref<64x129xf32, #tpu.memory_space<vmem>> -> memref<64x256xf32, #tpu.memory_space<vmem>>
    %dma_start3A_51 = arith.constant 320 : i32
    %dma_start3A_52 = tpu.memref_slice %arg5[%dma_start3A_51] : memref<512xi32, #tpu.memory_space<vmem>> -> memref<64xi32, #tpu.memory_space<vmem>>
    %dma_start3A_53 = arith.constant 0 : i32
    %dma_start3A_54 = tpu.memref_slice %arg2[%dma_start3A_53, %multiple_of3A] : memref<100000x129xf32, #tpu.memory_space<hbm>> -> memref<100000x256xf32, #tpu.memory_space<hbm>>
    %dma_start3A_55 = arith.constant 0 : i32
    %dma_start3A_56 = arith.constant 0 : i32
    %dma_start3A_57 = tpu.memref_slice %dma_start3A_54[%dma_start3A_55, %dma_start3A_56] : memref<100000x256xf32, #tpu.memory_space<hbm>> -> memref<100000x256xf32, #tpu.memory_space<hbm>>
    tpu.enqueue_indirect_dma source(%dma_start3A_57 : memref<100000x256xf32, #tpu.memory_space<hbm>>) target(%dma_start3A_50 : memref<64x256xf32, #tpu.memory_space<vmem>>) offsets(%dma_start3A_52 : memref<64xi32, #tpu.memory_space<vmem>>) semaphore(%arg12 : memref<!tpu.dma_semaphore, #tpu.memory_space<semaphore_mem>>)
    %dma_wait3A = arith.constant 0 : i32
    %dma_wait3A_58 = tpu.memref_slice %arg6[%dma_wait3A, %multiple_of3A] : memref<64x129xf32, #tpu.memory_space<vmem>> -> memref<64x256xf32, #tpu.memory_space<vmem>>
    %dma_wait3A_59 = arith.constant 0 : i32
    %dma_wait3A_60 = tpu.memref_slice %arg5[%dma_wait3A_59] : memref<512xi32, #tpu.memory_space<vmem>> -> memref<64xi32, #tpu.memory_space<vmem>>
    %dma_wait3A_61 = arith.constant 0 : i32
    %dma_wait3A_62 = tpu.memref_slice %arg2[%dma_wait3A_61, %multiple_of3A] : memref<100000x129xf32, #tpu.memory_space<hbm>> -> memref<100000x256xf32, #tpu.memory_space<hbm>>
    %dma_wait3A_63 = arith.constant 0 : i32
    %dma_wait3A_64 = arith.constant 0 : i32
    %dma_wait3A_65 = tpu.memref_slice %dma_wait3A_62[%dma_wait3A_63, %dma_wait3A_64] : memref<100000x256xf32, #tpu.memory_space<hbm>> -> memref<100000x256xf32, #tpu.memory_space<hbm>>
    tpu.wait_indirect_dma semaphore(%arg12 : memref<!tpu.dma_semaphore, #tpu.memory_space<semaphore_mem>>) src(%dma_wait3A_65 : memref<100000x256xf32, #tpu.memory_space<hbm>>) dst(%dma_wait3A_58 : memref<64x256xf32, #tpu.memory_space<vmem>>)
    %add3A_66 = arith.constant 0 : i32
    %add3A_67 = arith.addi %mul3A_2, %add3A_66 : i32
    %dma_start3A_68 = arith.constant 0 : i32
    %dma_start3A_69 = tpu.memref_slice %arg4[%add3A_67, %dma_start3A_68] : memref<16384x129xf32, #tpu.memory_space<hbm>> -> memref<64x129xf32, #tpu.memory_space<hbm>>
    %dma_start3A_70 = arith.constant 0 : i32
    %dma_start3A_71 = tpu.memref_slice %arg4[%add3A_67, %dma_start3A_70] : memref<16384x129xf32, #tpu.memory_space<hbm>> -> memref<64x129xf32, #tpu.memory_space<hbm>>
    tpu.enqueue_dma source(%arg6 : memref<64x129xf32, #tpu.memory_space<vmem>>) target(%dma_start3A_71 : memref<64x129xf32, #tpu.memory_space<hbm>>) target_semaphore(%arg13 : memref<!tpu.dma_semaphore, #tpu.memory_space<semaphore_mem>>)
    %dma_wait3A_72 = arith.constant 0 : i32
    %dma_wait3A_73 = tpu.memref_slice %arg4[%add3A_67, %dma_wait3A_72] : memref<16384x129xf32, #tpu.memory_space<hbm>> -> memref<64x129xf32, #tpu.memory_space<hbm>>
    %dma_wait3A_74 = arith.constant 0 : i32
    %dma_wait3A_75 = tpu.memref_slice %arg4[%add3A_67, %dma_wait3A_74] : memref<16384x129xf32, #tpu.memory_space<hbm>> -> memref<64x129xf32, #tpu.memory_space<hbm>>
    tpu.wait_dma2 semaphore(%arg13 : memref<!tpu.dma_semaphore, #tpu.memory_space<semaphore_mem>>) src(%arg6 : memref<64x129xf32, #tpu.memory_space<vmem>>) dst(%dma_wait3A_75 : memref<64x129xf32, #tpu.memory_space<hbm>>)
    %dma_start3A_76 = arith.constant 0 : i32
    %dma_start3A_77 = tpu.memref_slice %arg6[%dma_start3A_76, %multiple_of3A] : memref<64x129xf32, #tpu.memory_space<vmem>> -> memref<64x256xf32, #tpu.memory_space<vmem>>
    %dma_start3A_78 = arith.constant 384 : i32
    %dma_start3A_79 = tpu.memref_slice %arg5[%dma_start3A_78] : memref<512xi32, #tpu.memory_space<vmem>> -> memref<64xi32, #tpu.memory_space<vmem>>
    %dma_start3A_80 = arith.constant 0 : i32
    %dma_start3A_81 = tpu.memref_slice %arg2[%dma_start3A_80, %multiple_of3A] : memref<100000x129xf32, #tpu.memory_space<hbm>> -> memref<100000x256xf32, #tpu.memory_space<hbm>>
    %dma_start3A_82 = arith.constant 0 : i32
    %dma_start3A_83 = arith.constant 0 : i32
    %dma_start3A_84 = tpu.memref_slice %dma_start3A_81[%dma_start3A_82, %dma_start3A_83] : memref<100000x256xf32, #tpu.memory_space<hbm>> -> memref<100000x256xf32, #tpu.memory_space<hbm>>
    tpu.enqueue_indirect_dma source(%dma_start3A_84 : memref<100000x256xf32, #tpu.memory_space<hbm>>) target(%dma_start3A_77 : memref<64x256xf32, #tpu.memory_space<vmem>>) offsets(%dma_start3A_79 : memref<64xi32, #tpu.memory_space<vmem>>) semaphore(%arg12 : memref<!tpu.dma_semaphore, #tpu.memory_space<semaphore_mem>>)
    %dma_wait3A_85 = arith.constant 0 : i32
    %dma_wait3A_86 = tpu.memref_slice %arg7[%dma_wait3A_85, %multiple_of3A] : memref<64x129xf32, #tpu.memory_space<vmem>> -> memref<64x256xf32, #tpu.memory_space<vmem>>
    %dma_wait3A_87 = arith.constant 64 : i32
    %dma_wait3A_88 = tpu.memref_slice %arg5[%dma_wait3A_87] : memref<512xi32, #tpu.memory_space<vmem>> -> memref<64xi32, #tpu.memory_space<vmem>>
    %dma_wait3A_89 = arith.constant 0 : i32
    %dma_wait3A_90 = tpu.memref_slice %arg2[%dma_wait3A_89, %multiple_of3A] : memref<100000x129xf32, #tpu.memory_space<hbm>> -> memref<100000x256xf32, #tpu.memory_space<hbm>>
    %dma_wait3A_91 = arith.constant 0 : i32
    %dma_wait3A_92 = arith.constant 0 : i32
    %dma_wait3A_93 = tpu.memref_slice %dma_wait3A_90[%dma_wait3A_91, %dma_wait3A_92] : memref<100000x256xf32, #tpu.memory_space<hbm>> -> memref<100000x256xf32, #tpu.memory_space<hbm>>
    tpu.wait_indirect_dma semaphore(%arg12 : memref<!tpu.dma_semaphore, #tpu.memory_space<semaphore_mem>>) src(%dma_wait3A_93 : memref<100000x256xf32, #tpu.memory_space<hbm>>) dst(%dma_wait3A_86 : memref<64x256xf32, #tpu.memory_space<vmem>>)
    %add3A_94 = arith.constant 64 : i32
    %add3A_95 = arith.addi %mul3A_2, %add3A_94 : i32
    %dma_start3A_96 = arith.constant 0 : i32
    %dma_start3A_97 = tpu.memref_slice %arg4[%add3A_95, %dma_start3A_96] : memref<16384x129xf32, #tpu.memory_space<hbm>> -> memref<64x129xf32, #tpu.memory_space<hbm>>
    %dma_start3A_98 = arith.constant 0 : i32
    %dma_start3A_99 = tpu.memref_slice %arg4[%add3A_95, %dma_start3A_98] : memref<16384x129xf32, #tpu.memory_space<hbm>> -> memref<64x129xf32, #tpu.memory_space<hbm>>
    tpu.enqueue_dma source(%arg7 : memref<64x129xf32, #tpu.memory_space<vmem>>) target(%dma_start3A_99 : memref<64x129xf32, #tpu.memory_space<hbm>>) target_semaphore(%arg13 : memref<!tpu.dma_semaphore, #tpu.memory_space<semaphore_mem>>)
    %dma_wait3A_100 = arith.constant 0 : i32
    %dma_wait3A_101 = tpu.memref_slice %arg4[%add3A_95, %dma_wait3A_100] : memref<16384x129xf32, #tpu.memory_space<hbm>> -> memref<64x129xf32, #tpu.memory_space<hbm>>
    %dma_wait3A_102 = arith.constant 0 : i32
    %dma_wait3A_103 = tpu.memref_slice %arg4[%add3A_95, %dma_wait3A_102] : memref<16384x129xf32, #tpu.memory_space<hbm>> -> memref<64x129xf32, #tpu.memory_space<hbm>>
    tpu.wait_dma2 semaphore(%arg13 : memref<!tpu.dma_semaphore, #tpu.memory_space<semaphore_mem>>) src(%arg7 : memref<64x129xf32, #tpu.memory_space<vmem>>) dst(%dma_wait3A_103 : memref<64x129xf32, #tpu.memory_space<hbm>>)
    %dma_start3A_104 = arith.constant 0 : i32
    %dma_start3A_105 = tpu.memref_slice %arg7[%dma_start3A_104, %multiple_of3A] : memref<64x129xf32, #tpu.memory_space<vmem>> -> memref<64x256xf32, #tpu.memory_space<vmem>>
    %dma_start3A_106 = arith.constant 448 : i32
    %dma_start3A_107 = tpu.memref_slice %arg5[%dma_start3A_106] : memref<512xi32, #tpu.memory_space<vmem>> -> memref<64xi32, #tpu.memory_space<vmem>>
    %dma_start3A_108 = arith.constant 0 : i32
    %dma_start3A_109 = tpu.memref_slice %arg2[%dma_start3A_108, %multiple_of3A] : memref<100000x129xf32, #tpu.memory_space<hbm>> -> memref<100000x256xf32, #tpu.memory_space<hbm>>
    %dma_start3A_110 = arith.constant 0 : i32
    %dma_start3A_111 = arith.constant 0 : i32
    %dma_start3A_112 = tpu.memref_slice %dma_start3A_109[%dma_start3A_110, %dma_start3A_111] : memref<100000x256xf32, #tpu.memory_space<hbm>> -> memref<100000x256xf32, #tpu.memory_space<hbm>>
    tpu.enqueue_indirect_dma source(%dma_start3A_112 : memref<100000x256xf32, #tpu.memory_space<hbm>>) target(%dma_start3A_105 : memref<64x256xf32, #tpu.memory_space<vmem>>) offsets(%dma_start3A_107 : memref<64xi32, #tpu.memory_space<vmem>>) semaphore(%arg12 : memref<!tpu.dma_semaphore, #tpu.memory_space<semaphore_mem>>)
    %dma_wait3A_113 = arith.constant 0 : i32
    %dma_wait3A_114 = tpu.memref_slice %arg8[%dma_wait3A_113, %multiple_of3A] : memref<64x129xf32, #tpu.memory_space<vmem>> -> memref<64x256xf32, #tpu.memory_space<vmem>>
    %dma_wait3A_115 = arith.constant 128 : i32
    %dma_wait3A_116 = tpu.memref_slice %arg5[%dma_wait3A_115] : memref<512xi32, #tpu.memory_space<vmem>> -> memref<64xi32, #tpu.memory_space<vmem>>
    %dma_wait3A_117 = arith.constant 0 : i32
    %dma_wait3A_118 = tpu.memref_slice %arg2[%dma_wait3A_117, %multiple_of3A] : memref<100000x129xf32, #tpu.memory_space<hbm>> -> memref<100000x256xf32, #tpu.memory_space<hbm>>
    %dma_wait3A_119 = arith.constant 0 : i32
    %dma_wait3A_120 = arith.constant 0 : i32
    %dma_wait3A_121 = tpu.memref_slice %dma_wait3A_118[%dma_wait3A_119, %dma_wait3A_120] : memref<100000x256xf32, #tpu.memory_space<hbm>> -> memref<100000x256xf32, #tpu.memory_space<hbm>>
    tpu.wait_indirect_dma semaphore(%arg12 : memref<!tpu.dma_semaphore, #tpu.memory_space<semaphore_mem>>) src(%dma_wait3A_121 : memref<100000x256xf32, #tpu.memory_space<hbm>>) dst(%dma_wait3A_114 : memref<64x256xf32, #tpu.memory_space<vmem>>)
    %add3A_122 = arith.constant 128 : i32
    %add3A_123 = arith.addi %mul3A_2, %add3A_122 : i32
    %dma_start3A_124 = arith.constant 0 : i32
    %dma_start3A_125 = tpu.memref_slice %arg4[%add3A_123, %dma_start3A_124] : memref<16384x129xf32, #tpu.memory_space<hbm>> -> memref<64x129xf32, #tpu.memory_space<hbm>>
    %dma_start3A_126 = arith.constant 0 : i32
    %dma_start3A_127 = tpu.memref_slice %arg4[%add3A_123, %dma_start3A_126] : memref<16384x129xf32, #tpu.memory_space<hbm>> -> memref<64x129xf32, #tpu.memory_space<hbm>>
    tpu.enqueue_dma source(%arg8 : memref<64x129xf32, #tpu.memory_space<vmem>>) target(%dma_start3A_127 : memref<64x129xf32, #tpu.memory_space<hbm>>) target_semaphore(%arg13 : memref<!tpu.dma_semaphore, #tpu.memory_space<semaphore_mem>>)
    %dma_wait3A_128 = arith.constant 0 : i32
    %dma_wait3A_129 = tpu.memref_slice %arg9[%dma_wait3A_128, %multiple_of3A] : memref<64x129xf32, #tpu.memory_space<vmem>> -> memref<64x256xf32, #tpu.memory_space<vmem>>
    %dma_wait3A_130 = arith.constant 192 : i32
    %dma_wait3A_131 = tpu.memref_slice %arg5[%dma_wait3A_130] : memref<512xi32, #tpu.memory_space<vmem>> -> memref<64xi32, #tpu.memory_space<vmem>>
    %dma_wait3A_132 = arith.constant 0 : i32
    %dma_wait3A_133 = tpu.memref_slice %arg2[%dma_wait3A_132, %multiple_of3A] : memref<100000x129xf32, #tpu.memory_space<hbm>> -> memref<100000x256xf32, #tpu.memory_space<hbm>>
    %dma_wait3A_134 = arith.constant 0 : i32
    %dma_wait3A_135 = arith.constant 0 : i32
    %dma_wait3A_136 = tpu.memref_slice %dma_wait3A_133[%dma_wait3A_134, %dma_wait3A_135] : memref<100000x256xf32, #tpu.memory_space<hbm>> -> memref<100000x256xf32, #tpu.memory_space<hbm>>
    tpu.wait_indirect_dma semaphore(%arg12 : memref<!tpu.dma_semaphore, #tpu.memory_space<semaphore_mem>>) src(%dma_wait3A_136 : memref<100000x256xf32, #tpu.memory_space<hbm>>) dst(%dma_wait3A_129 : memref<64x256xf32, #tpu.memory_space<vmem>>)
    %add3A_137 = arith.constant 192 : i32
    %add3A_138 = arith.addi %mul3A_2, %add3A_137 : i32
    %dma_start3A_139 = arith.constant 0 : i32
    %dma_start3A_140 = tpu.memref_slice %arg4[%add3A_138, %dma_start3A_139] : memref<16384x129xf32, #tpu.memory_space<hbm>> -> memref<64x129xf32, #tpu.memory_space<hbm>>
    %dma_start3A_141 = arith.constant 0 : i32
    %dma_start3A_142 = tpu.memref_slice %arg4[%add3A_138, %dma_start3A_141] : memref<16384x129xf32, #tpu.memory_space<hbm>> -> memref<64x129xf32, #tpu.memory_space<hbm>>
    tpu.enqueue_dma source(%arg9 : memref<64x129xf32, #tpu.memory_space<vmem>>) target(%dma_start3A_142 : memref<64x129xf32, #tpu.memory_space<hbm>>) target_semaphore(%arg13 : memref<!tpu.dma_semaphore, #tpu.memory_space<semaphore_mem>>)
    %dma_wait3A_143 = arith.constant 0 : i32
    %dma_wait3A_144 = tpu.memref_slice %arg10[%dma_wait3A_143, %multiple_of3A] : memref<64x129xf32, #tpu.memory_space<vmem>> -> memref<64x256xf32, #tpu.memory_space<vmem>>
    %dma_wait3A_145 = arith.constant 256 : i32
    %dma_wait3A_146 = tpu.memref_slice %arg5[%dma_wait3A_145] : memref<512xi32, #tpu.memory_space<vmem>> -> memref<64xi32, #tpu.memory_space<vmem>>
    %dma_wait3A_147 = arith.constant 0 : i32
    %dma_wait3A_148 = tpu.memref_slice %arg2[%dma_wait3A_147, %multiple_of3A] : memref<100000x129xf32, #tpu.memory_space<hbm>> -> memref<100000x256xf32, #tpu.memory_space<hbm>>
    %dma_wait3A_149 = arith.constant 0 : i32
    %dma_wait3A_150 = arith.constant 0 : i32
    %dma_wait3A_151 = tpu.memref_slice %dma_wait3A_148[%dma_wait3A_149, %dma_wait3A_150] : memref<100000x256xf32, #tpu.memory_space<hbm>> -> memref<100000x256xf32, #tpu.memory_space<hbm>>
    tpu.wait_indirect_dma semaphore(%arg12 : memref<!tpu.dma_semaphore, #tpu.memory_space<semaphore_mem>>) src(%dma_wait3A_151 : memref<100000x256xf32, #tpu.memory_space<hbm>>) dst(%dma_wait3A_144 : memref<64x256xf32, #tpu.memory_space<vmem>>)
    %add3A_152 = arith.constant 256 : i32
    %add3A_153 = arith.addi %mul3A_2, %add3A_152 : i32
    %dma_start3A_154 = arith.constant 0 : i32
    %dma_start3A_155 = tpu.memref_slice %arg4[%add3A_153, %dma_start3A_154] : memref<16384x129xf32, #tpu.memory_space<hbm>> -> memref<64x129xf32, #tpu.memory_space<hbm>>
    %dma_start3A_156 = arith.constant 0 : i32
    %dma_start3A_157 = tpu.memref_slice %arg4[%add3A_153, %dma_start3A_156] : memref<16384x129xf32, #tpu.memory_space<hbm>> -> memref<64x129xf32, #tpu.memory_space<hbm>>
    tpu.enqueue_dma source(%arg10 : memref<64x129xf32, #tpu.memory_space<vmem>>) target(%dma_start3A_157 : memref<64x129xf32, #tpu.memory_space<hbm>>) target_semaphore(%arg13 : memref<!tpu.dma_semaphore, #tpu.memory_space<semaphore_mem>>)
    %dma_wait3A_158 = arith.constant 0 : i32
    %dma_wait3A_159 = tpu.memref_slice %arg11[%dma_wait3A_158, %multiple_of3A] : memref<64x129xf32, #tpu.memory_space<vmem>> -> memref<64x256xf32, #tpu.memory_space<vmem>>
    %dma_wait3A_160 = arith.constant 320 : i32
    %dma_wait3A_161 = tpu.memref_slice %arg5[%dma_wait3A_160] : memref<512xi32, #tpu.memory_space<vmem>> -> memref<64xi32, #tpu.memory_space<vmem>>
    %dma_wait3A_162 = arith.constant 0 : i32
    %dma_wait3A_163 = tpu.memref_slice %arg2[%dma_wait3A_162, %multiple_of3A] : memref<100000x129xf32, #tpu.memory_space<hbm>> -> memref<100000x256xf32, #tpu.memory_space<hbm>>
    %dma_wait3A_164 = arith.constant 0 : i32
    %dma_wait3A_165 = arith.constant 0 : i32
    %dma_wait3A_166 = tpu.memref_slice %dma_wait3A_163[%dma_wait3A_164, %dma_wait3A_165] : memref<100000x256xf32, #tpu.memory_space<hbm>> -> memref<100000x256xf32, #tpu.memory_space<hbm>>
    tpu.wait_indirect_dma semaphore(%arg12 : memref<!tpu.dma_semaphore, #tpu.memory_space<semaphore_mem>>) src(%dma_wait3A_166 : memref<100000x256xf32, #tpu.memory_space<hbm>>) dst(%dma_wait3A_159 : memref<64x256xf32, #tpu.memory_space<vmem>>)
    %add3A_167 = arith.constant 320 : i32
    %add3A_168 = arith.addi %mul3A_2, %add3A_167 : i32
    %dma_start3A_169 = arith.constant 0 : i32
    %dma_start3A_170 = tpu.memref_slice %arg4[%add3A_168, %dma_start3A_169] : memref<16384x129xf32, #tpu.memory_space<hbm>> -> memref<64x129xf32, #tpu.memory_space<hbm>>
    %dma_start3A_171 = arith.constant 0 : i32
    %dma_start3A_172 = tpu.memref_slice %arg4[%add3A_168, %dma_start3A_171] : memref<16384x129xf32, #tpu.memory_space<hbm>> -> memref<64x129xf32, #tpu.memory_space<hbm>>
    tpu.enqueue_dma source(%arg11 : memref<64x129xf32, #tpu.memory_space<vmem>>) target(%dma_start3A_172 : memref<64x129xf32, #tpu.memory_space<hbm>>) target_semaphore(%arg13 : memref<!tpu.dma_semaphore, #tpu.memory_space<semaphore_mem>>)
    %dma_wait3A_173 = arith.constant 0 : i32
    %dma_wait3A_174 = tpu.memref_slice %arg6[%dma_wait3A_173, %multiple_of3A] : memref<64x129xf32, #tpu.memory_space<vmem>> -> memref<64x256xf32, #tpu.memory_space<vmem>>
    %dma_wait3A_175 = arith.constant 384 : i32
    %dma_wait3A_176 = tpu.memref_slice %arg5[%dma_wait3A_175] : memref<512xi32, #tpu.memory_space<vmem>> -> memref<64xi32, #tpu.memory_space<vmem>>
    %dma_wait3A_177 = arith.constant 0 : i32
    %dma_wait3A_178 = tpu.memref_slice %arg2[%dma_wait3A_177, %multiple_of3A] : memref<100000x129xf32, #tpu.memory_space<hbm>> -> memref<100000x256xf32, #tpu.memory_space<hbm>>
    %dma_wait3A_179 = arith.constant 0 : i32
    %dma_wait3A_180 = arith.constant 0 : i32
    %dma_wait3A_181 = tpu.memref_slice %dma_wait3A_178[%dma_wait3A_179, %dma_wait3A_180] : memref<100000x256xf32, #tpu.memory_space<hbm>> -> memref<100000x256xf32, #tpu.memory_space<hbm>>
    tpu.wait_indirect_dma semaphore(%arg12 : memref<!tpu.dma_semaphore, #tpu.memory_space<semaphore_mem>>) src(%dma_wait3A_181 : memref<100000x256xf32, #tpu.memory_space<hbm>>) dst(%dma_wait3A_174 : memref<64x256xf32, #tpu.memory_space<vmem>>)
    %add3A_182 = arith.constant 384 : i32
    %add3A_183 = arith.addi %mul3A_2, %add3A_182 : i32
    %dma_start3A_184 = arith.constant 0 : i32
    %dma_start3A_185 = tpu.memref_slice %arg4[%add3A_183, %dma_start3A_184] : memref<16384x129xf32, #tpu.memory_space<hbm>> -> memref<64x129xf32, #tpu.memory_space<hbm>>
    %dma_start3A_186 = arith.constant 0 : i32
    %dma_start3A_187 = tpu.memref_slice %arg4[%add3A_183, %dma_start3A_186] : memref<16384x129xf32, #tpu.memory_space<hbm>> -> memref<64x129xf32, #tpu.memory_space<hbm>>
    tpu.enqueue_dma source(%arg6 : memref<64x129xf32, #tpu.memory_space<vmem>>) target(%dma_start3A_187 : memref<64x129xf32, #tpu.memory_space<hbm>>) target_semaphore(%arg13 : memref<!tpu.dma_semaphore, #tpu.memory_space<semaphore_mem>>)
    %dma_wait3A_188 = arith.constant 0 : i32
    %dma_wait3A_189 = tpu.memref_slice %arg7[%dma_wait3A_188, %multiple_of3A] : memref<64x129xf32, #tpu.memory_space<vmem>> -> memref<64x256xf32, #tpu.memory_space<vmem>>
    %dma_wait3A_190 = arith.constant 448 : i32
    %dma_wait3A_191 = tpu.memref_slice %arg5[%dma_wait3A_190] : memref<512xi32, #tpu.memory_space<vmem>> -> memref<64xi32, #tpu.memory_space<vmem>>
    %dma_wait3A_192 = arith.constant 0 : i32
    %dma_wait3A_193 = tpu.memref_slice %arg2[%dma_wait3A_192, %multiple_of3A] : memref<100000x129xf32, #tpu.memory_space<hbm>> -> memref<100000x256xf32, #tpu.memory_space<hbm>>
    %dma_wait3A_194 = arith.constant 0 : i32
    %dma_wait3A_195 = arith.constant 0 : i32
    %dma_wait3A_196 = tpu.memref_slice %dma_wait3A_193[%dma_wait3A_194, %dma_wait3A_195] : memref<100000x256xf32, #tpu.memory_space<hbm>> -> memref<100000x256xf32, #tpu.memory_space<hbm>>
    tpu.wait_indirect_dma semaphore(%arg12 : memref<!tpu.dma_semaphore, #tpu.memory_space<semaphore_mem>>) src(%dma_wait3A_196 : memref<100000x256xf32, #tpu.memory_space<hbm>>) dst(%dma_wait3A_189 : memref<64x256xf32, #tpu.memory_space<vmem>>)
    %add3A_197 = arith.constant 448 : i32
    %add3A_198 = arith.addi %mul3A_2, %add3A_197 : i32
    %dma_start3A_199 = arith.constant 0 : i32
    %dma_start3A_200 = tpu.memref_slice %arg4[%add3A_198, %dma_start3A_199] : memref<16384x129xf32, #tpu.memory_space<hbm>> -> memref<64x129xf32, #tpu.memory_space<hbm>>
    %dma_start3A_201 = arith.constant 0 : i32
    %dma_start3A_202 = tpu.memref_slice %arg4[%add3A_198, %dma_start3A_201] : memref<16384x129xf32, #tpu.memory_space<hbm>> -> memref<64x129xf32, #tpu.memory_space<hbm>>
    tpu.enqueue_dma source(%arg7 : memref<64x129xf32, #tpu.memory_space<vmem>>) target(%dma_start3A_202 : memref<64x129xf32, #tpu.memory_space<hbm>>) target_semaphore(%arg13 : memref<!tpu.dma_semaphore, #tpu.memory_space<semaphore_mem>>)
    %dma_wait3A_203 = arith.constant 0 : i32
    %dma_wait3A_204 = tpu.memref_slice %arg4[%add3A_123, %dma_wait3A_203] : memref<16384x129xf32, #tpu.memory_space<hbm>> -> memref<64x129xf32, #tpu.memory_space<hbm>>
    %dma_wait3A_205 = arith.constant 0 : i32
    %dma_wait3A_206 = tpu.memref_slice %arg4[%add3A_123, %dma_wait3A_205] : memref<16384x129xf32, #tpu.memory_space<hbm>> -> memref<64x129xf32, #tpu.memory_space<hbm>>
    tpu.wait_dma2 semaphore(%arg13 : memref<!tpu.dma_semaphore, #tpu.memory_space<semaphore_mem>>) src(%arg8 : memref<64x129xf32, #tpu.memory_space<vmem>>) dst(%dma_wait3A_206 : memref<64x129xf32, #tpu.memory_space<hbm>>)
    %dma_wait3A_207 = arith.constant 0 : i32
    %dma_wait3A_208 = tpu.memref_slice %arg4[%add3A_138, %dma_wait3A_207] : memref<16384x129xf32, #tpu.memory_space<hbm>> -> memref<64x129xf32, #tpu.memory_space<hbm>>
    %dma_wait3A_209 = arith.constant 0 : i32
    %dma_wait3A_210 = tpu.memref_slice %arg4[%add3A_138, %dma_wait3A_209] : memref<16384x129xf32, #tpu.memory_space<hbm>> -> memref<64x129xf32, #tpu.memory_space<hbm>>
    tpu.wait_dma2 semaphore(%arg13 : memref<!tpu.dma_semaphore, #tpu.memory_space<semaphore_mem>>) src(%arg9 : memref<64x129xf32, #tpu.memory_space<vmem>>) dst(%dma_wait3A_210 : memref<64x129xf32, #tpu.memory_space<hbm>>)
    %dma_wait3A_211 = arith.constant 0 : i32
    %dma_wait3A_212 = tpu.memref_slice %arg4[%add3A_153, %dma_wait3A_211] : memref<16384x129xf32, #tpu.memory_space<hbm>> -> memref<64x129xf32, #tpu.memory_space<hbm>>
    %dma_wait3A_213 = arith.constant 0 : i32
    %dma_wait3A_214 = tpu.memref_slice %arg4[%add3A_153, %dma_wait3A_213] : memref<16384x129xf32, #tpu.memory_space<hbm>> -> memref<64x129xf32, #tpu.memory_space<hbm>>
    tpu.wait_dma2 semaphore(%arg13 : memref<!tpu.dma_semaphore, #tpu.memory_space<semaphore_mem>>) src(%arg10 : memref<64x129xf32, #tpu.memory_space<vmem>>) dst(%dma_wait3A_214 : memref<64x129xf32, #tpu.memory_space<hbm>>)
    %dma_wait3A_215 = arith.constant 0 : i32
    %dma_wait3A_216 = tpu.memref_slice %arg4[%add3A_168, %dma_wait3A_215] : memref<16384x129xf32, #tpu.memory_space<hbm>> -> memref<64x129xf32, #tpu.memory_space<hbm>>
    %dma_wait3A_217 = arith.constant 0 : i32
    %dma_wait3A_218 = tpu.memref_slice %arg4[%add3A_168, %dma_wait3A_217] : memref<16384x129xf32, #tpu.memory_space<hbm>> -> memref<64x129xf32, #tpu.memory_space<hbm>>
    tpu.wait_dma2 semaphore(%arg13 : memref<!tpu.dma_semaphore, #tpu.memory_space<semaphore_mem>>) src(%arg11 : memref<64x129xf32, #tpu.memory_space<vmem>>) dst(%dma_wait3A_218 : memref<64x129xf32, #tpu.memory_space<hbm>>)
    %dma_wait3A_219 = arith.constant 0 : i32
    %dma_wait3A_220 = tpu.memref_slice %arg4[%add3A_183, %dma_wait3A_219] : memref<16384x129xf32, #tpu.memory_space<hbm>> -> memref<64x129xf32, #tpu.memory_space<hbm>>
    %dma_wait3A_221 = arith.constant 0 : i32
    %dma_wait3A_222 = tpu.memref_slice %arg4[%add3A_183, %dma_wait3A_221] : memref<16384x129xf32, #tpu.memory_space<hbm>> -> memref<64x129xf32, #tpu.memory_space<hbm>>
    tpu.wait_dma2 semaphore(%arg13 : memref<!tpu.dma_semaphore, #tpu.memory_space<semaphore_mem>>) src(%arg6 : memref<64x129xf32, #tpu.memory_space<vmem>>) dst(%dma_wait3A_222 : memref<64x129xf32, #tpu.memory_space<hbm>>)
    %dma_wait3A_223 = arith.constant 0 : i32
    %dma_wait3A_224 = tpu.memref_slice %arg4[%add3A_198, %dma_wait3A_223] : memref<16384x129xf32, #tpu.memory_space<hbm>> -> memref<64x129xf32, #tpu.memory_space<hbm>>
    %dma_wait3A_225 = arith.constant 0 : i32
    %dma_wait3A_226 = tpu.memref_slice %arg4[%add3A_198, %dma_wait3A_225] : memref<16384x129xf32, #tpu.memory_space<hbm>> -> memref<64x129xf32, #tpu.memory_space<hbm>>
    tpu.wait_dma2 semaphore(%arg13 : memref<!tpu.dma_semaphore, #tpu.memory_space<semaphore_mem>>) src(%arg7 : memref<64x129xf32, #tpu.memory_space<vmem>>) dst(%dma_wait3A_226 : memref<64x129xf32, #tpu.memory_space<hbm>>)
    return
  }
}

</mosaic_0001>

<sc_bundles>
// kernel: kernel.3.cloned.1.call-start
scs
__scs_entry_jumppad:
0x0: {  	(pc) =	sbr.rel $0x88, $3  }
0x1: {  	(tag) =	ssettag $0x0;
	lr =	simm.s32 $0x1  }
0x2: {  	[smem:$0x3F9F] =	sst lr;
	_ =	strace $0xD0000000  }
0x3: {  	_ = 	snop  }
0x4: {  	_ = 	snop  }
0x5: {  	_ = 	snop  }
0x6: {  	_ = 	snop  }
0x7: {  	_ = 	snop  }
__scs_overlays_trampoline_lowered:
0x8: {  	[smem:$0x3FAE] =	sst s0  }
0x9: {  	[smem:$0x3FAF] =	sst s1  }
0xa: {  	[smem:$0x3FB0] =	sst s2  }
0xb: {  	[smem:$0x3FB1] =	sst s3  }
0xc: {  	[smem:$0x3FB2] =	sst s4  }
0xd: {  	[smem:$0x3FB3] =	sst s5  }
0xe: {  	[smem:$0x3FB4] =	sst s6  }
0xf: {  	[smem:$0x3FB5] =	sst s7  }
0x10: {  	[smem:$0x3FB6] =	sst s8  }
0x11: {  	[smem:$0x3FB7] =	sst s9;
	s0 =	simm.s32 @!p0 $0x0  }
0x12: {  	s1 =	sld [smem:$0x3F9D];
	s0 =	simm.s32 @p0 $0x1  }
0x13: {  	[smem:$0x3FB8] =	sst s0;
	s0 =	simm.s32 @!p1 $0x0  }
0x14: {  	s2 =	sld [smem:$0x3F9C];
	s0 =	simm.s32 @p1 $0x1  }
0x15: {  	[smem:$0x3FB9] =	sst s0;
	s0 =	simm.s32 @!p2 $0x0  }
0x16: {  	s3 =	sld [smem:$0x3FDB];
	s0 =	simm.s32 @p2 $0x1  }
0x17: {  	s4 =	simm.s32 $0x1BF5;
	[smem:$0x3FBB] =	sst s0  }
0x18: {  	s0 =	sld [smem:$0x3F9E];
	_ =	swait.ge [sflag:s4], $0x0  }
0x19: {  	s7 =	sld [smem:$0x3F9F]  }
0x1a: {  	s8 =	sadd.s32 $0xFFFFE003, lr  }
0x1b: {  	s9 =	sadd.s32 $0xFFFFFEF7, lr;
	s5 =	simm.s32 $0xFFFFFFFF;
	p2 =	slt.u32 s8, $0xFFFFF086  }
0x1c: {  	p1 =	slt.u32 s9, $0xF7A;
	s5 =	simm.s32 @!p2 $0x0  }
0x1d: {  	s5 =	simm.s32 @p1 $0x1;
	p0 =	seq.s32 s7, s2  }
0x1e: {  	s7 =	smul.u32 @!p0 $0xF7A, s2;
	p2 =	seq.s32 @!p0 s5, $0x0  }
0x1f: {  	s9 =	smul.u32 $0xF7A, s1;
	s8 =	simm.s32 @!p0 $0x1BF5;
	p2 =	por !p2, p0  }
0x20: {  	[sflag:s8] =	ssyncset.s32 @!p0 $0xFFFFF086;
	s6 =	sadd.s32 @!p0 s3, s7;
	s7 =	simm.s32 @!p0 $0x108  }
0x21: {  	s3 =	sadd.s32 s3, s9;
	s6 =	sadd.s32 @!p0 $0x88, s6;
	s7 =	simm.s32 @p2 $0x1082  }
0x22: {  	[simem:s7], [sflag:s8] =	dma.local @!p0 [hbm:s6], $0xF7A  }
0x23: {  	s9 =	sor.u32 $0xD0000000, s2;
	s6 =	simm.s32 $0x108;
	_ =	swait.ge @!p0 [sflag:s8], $0x0  }
0x24: {  	s3 =	sadd.s32 $0x88, s3;
	s6 =	simm.s32 @!p1 $0x1082;
	[sflag:s4] =	ssyncset.s32 $0xFFFFF086  }
0x25: {  	[simem:s6], [sflag:s4] =	dma.local [hbm:s3], $0xF7A  }
0x26: {  	[smem:$0x3F9F] =	sst s1;
	(tag) =	ssettag s2;
	_ =	strace s9  }
0x27: {  	s1 =	sld [smem:$0x3FAF]  }
0x28: {  	s2 =	sld [smem:$0x3FB0]  }
0x29: {  	s4 =	sld [smem:$0x3FB2]  }
0x2a: {  	p0 =	seq.s32 s5, $0x0;
	s5 =	sld [smem:$0x3FB3]  }
0x2b: {  	s6 =	sld [smem:$0x3FB4]  }
0x2c: {  	s7 =	sld [smem:$0x3FB5]  }
0x2d: {  	s3 =	simm.s32 $0x108;
	s8 =	sld [smem:$0x3FB6]  }
0x2e: {  	s3 =	simm.s32 @!p0 $0x1082;
	s9 =	sld [smem:$0x3FB7]  }
0x2f: {  	lr =	sadd.s32 s0, s3;
	s0 =	sld [smem:$0x3FAE]  }
0x30: {  	s3 =	sld [smem:$0x3FB1]  }
0x31: {  	[smem:$0x3FBA] =	sst s10  }
0x32: {  	s10 =	sld [smem:$0x3FB8];
	_ =	sdelay $0x3  }
0x33: {  	p0 =	seq.s32 s10, $0x1;
	s10 =	sld [smem:$0x3FBA];
	_ =	sdelay $0x3  }
0x34: {  	[smem:$0x3FBA] =	sst s10  }
0x35: {  	s10 =	sld [smem:$0x3FB9];
	_ =	sdelay $0x3  }
0x36: {  	p1 =	seq.s32 s10, $0x1;
	s10 =	sld [smem:$0x3FBA];
	_ =	sdelay $0x3  }
0x37: {  	[smem:$0x3FBA] =	sst s10  }
0x38: {  	s10 =	sld [smem:$0x3FBB]  }
0x39: {  	_ = 	snop;
	(pc) =	sbr.ind lr, $3  }
0x3a: {  	_ = 	snop  }
0x3b: {  	_ = 	snop  }
0x3c: {  	p2 =	seq.s32 s10, $0x1;
	s10 =	sld [smem:$0x3FBA]  }
0x3d: {  	_ =	shalt  }
0x3e: {  	_ =	shalt  }
0x3f: {  	_ =	shalt  }
0x40: {  	_ =	shalt  }
0x41: {  	_ =	shalt  }
0x42: {  	_ =	shalt  }
0x43: {  	_ =	shalt  }
0x44: {  	_ =	shalt  }
0x45: {  	_ =	shalt  }
0x46: {  	_ =	shalt  }
0x47: {  	_ =	shalt  }
0x48: {  	_ =	shalt  }
0x49: {  	_ =	shalt  }
0x4a: {  	_ =	shalt  }
0x4b: {  	_ =	shalt  }
0x4c: {  	_ =	shalt  }
0x4d: {  	_ =	shalt  }
0x4e: {  	_ =	shalt  }
0x4f: {  	_ =	shalt  }
0x50: {  	_ =	shalt  }
0x51: {  	_ =	shalt  }
0x52: {  	_ =	shalt  }
0x53: {  	_ =	shalt  }
0x54: {  	_ =	shalt  }
0x55: {  	_ =	shalt  }
0x56: {  	_ =	shalt  }
0x57: {  	_ =	shalt  }
0x58: {  	_ =	shalt  }
0x59: {  	_ =	shalt  }
0x5a: {  	_ =	shalt  }
0x5b: {  	_ =	shalt  }
0x5c: {  	_ =	shalt  }
0x5d: {  	_ =	shalt  }
0x5e: {  	_ =	shalt  }
0x5f: {  	_ =	shalt  }
0x60: {  	_ =	shalt  }
0x61: {  	_ =	shalt  }
0x62: {  	_ =	shalt  }
0x63: {  	_ =	shalt  }
0x64: {  	_ =	shalt  }
0x65: {  	_ =	shalt  }
0x66: {  	_ =	shalt  }
0x67: {  	_ =	shalt  }
0x68: {  	_ =	shalt  }
0x69: {  	_ =	shalt  }
0x6a: {  	_ =	shalt  }
0x6b: {  	_ =	shalt  }
0x6c: {  	_ =	shalt  }
0x6d: {  	_ =	shalt  }
0x6e: {  	_ =	shalt  }
0x6f: {  	_ =	shalt  }
0x70: {  	_ =	shalt  }
0x71: {  	_ =	shalt  }
0x72: {  	_ =	shalt  }
0x73: {  	_ =	shalt  }
0x74: {  	_ =	shalt  }
0x75: {  	_ =	shalt  }
0x76: {  	_ =	shalt  }
0x77: {  	_ =	shalt  }
0x78: {  	_ =	shalt  }
0x79: {  	_ =	shalt  }
0x7a: {  	_ =	shalt  }
0x7b: {  	_ =	shalt  }
0x7c: {  	_ =	shalt  }
0x7d: {  	_ =	shalt  }
0x7e: {  	_ =	shalt  }
0x7f: {  	_ =	shalt  }
0x80: {  	_ =	shalt  }
0x81: {  	_ =	shalt  }
0x82: {  	_ =	shalt  }
0x83: {  	_ =	shalt  }
0x84: {  	_ =	shalt  }
0x85: {  	_ =	shalt  }
0x86: {  	_ =	shalt  }
0x87: {  	_ =	shalt  }
.Lfunc_end0:
.L_simem_size_0:
called_computation_lowered:
.L_overlay_start_0:
0x88: {  	s2 =	sld [smem:$0x3FD9]  }
0x89: {  	s3 =	sld [smem:$0x3FFE];
	_ =	sdelay $0x1  }
0x8a: {  	s1 =	srdreg.scid  }
0x8b: {  	s0 =	sand.u32 $0x1, s1  }
0x8c: {  	s17 =	sshll.u32 s0, $0xA;
	s2 =	sadd.s32 s3, s2  }
0x8d: {  	s2 =	sadd.s32 s2, s17  }
0x8e: {  	[smem:$0x3FC6] =	sst s2  }
0x8f: {  	_ = 	snop  }
0x90: {  	s2 =	sld [smem:$0x3FC9];
	(tm) =	ssettm $0x1  }
0x91: {  	s18 =	sld [smem:$0x3FFB];
	_ =	sdelay $0x3  }
0x92: {  	_ =	strace s18  }
0x93: {  	s3 =	sld [smem:$0x3FFC];
	_ =	sdelay $0x3  }
0x94: {  	_ =	strace s3  }
0x95: {  	s3 =	sld [smem:$0x3FFD];
	_ =	sdelay $0x3  }
0x96: {  	_ =	strace s3  }
0x97: {  	_ =	strace $0x8FFFFFFF  }
0x98: {  	s19 =	sld [smem:$0x3FDB];
	_ =	sdelay $0x1  }
0x99: {  	s4 =	simm.s32 $_scs_section_size  }
0x9a: {  	s5 =	simm.s32 $_size__tile_overlayer_lowered;
	s6 =	simm.s32 $_tile_overlayer_lowered  }
0x9b: {  	s22 =	simm.s32 $0x1BFF;
	s21 =	sshll.u32 s6, $0x1;
	s3 =	sadd.s32 s4, s19  }
0x9c: {  	s7 =	simm.s32 $0x0;
	s20 =	sshll.u32 s5, $0x1;
	s5 =	sadd.s32 s21, s3  }
0x9d: {  	[timem:s7], [sflag:s22] =	dma.local [hbm:s5], s20  }
0x9e: {  	_ =	swait.ge [sflag:s22], s20  }
0x9f: {  	s4 =	ssub.s32 $0x0, s20;
	[sflag:s22] =	ssyncset.done $0x0  }
0xa0: {  	[sflag:s22] =	ssyncadd.s32 s4;
	_ =	sdelay $0x1  }
0xa1: {  	s23 =	simm.s32 $0x1B8B  }
0xa2: {  	_ =	swait.ge [sflag:s23], $0x1  }
0xa3: {  	[sflag:s23] =	ssyncset.done $0x0  }
0xa4: {  	s25 =	simm.s32 $0x1B8E;
	s24 =	sld [smem:$0x3FFE];
	[sflag:s23] =	ssyncadd.s32 $0xFFFFFFFF  }
0xa5: {  	s26 =	simm.s32 $execute0_lowered;
	[smem:$0x3FD2] =	sst s25  }
0xa6: {  	s5 =	sshll.u32 s26, $0x1;
	_ =	strace $0x80000046;
	[dreg:$0x1] =	wrdreg $0xFFFFFFFF  }
0xa7: {  	s28 =	simm.s32 $_size_execute0_lowered;
	s3 =	sadd.s32 s3, s5;
	[dreg:$0x0] =	wrdreg $0x0  }
0xa8: {  	s5 =	sshll.u32 s28, $0x1;
	[dreg:$0x2] =	wrdreg s3  }
0xa9: {  	[dreg:$0x3] =	wrdreg s5  }
0xaa: {  	[dreg:$0x4] =	wrdreg $0xC0  }
0xab: {  	_ =	task [dreg:s7], $0x5FFFF  }
0xac: {  	[dreg:$0x1] =	wrdreg $0xFFFFFFFF  }
0xad: {  	[dreg:$0x0] =	wrdreg $0x60  }
0xae: {  	[dreg:$0x2] =	wrdreg s24  }
0xaf: {  	[dreg:$0x3] =	wrdreg s2  }
0xb0: {  	[dreg:$0x4] =	wrdreg $0x9  }
0xb1: {  	_ =	task.clear_ibuf [dreg:s7], $0x5FFFF;
	_ =	strace $0x90000046  }
0xb2: {  	s29 =	simm.s32 $0x9;
	_ =	strace $0x80000048  }
0xb3: {  	_ =	swait.ge [sflag:s29], $0x1  }
0xb4: {  	[sflag:s29] =	ssyncadd.s32 $0xFFFFFFFF  }
0xb5: {  	_ =	strace $0x90000048  }
0xb6: {  	_ =	sfence  }
0xb7: {  	s30 =	sld [smem:$0x0];
	_ =	sdelay $0x2  }
0xb8: {  	s31 =	sshll.u32 s1, $0xD;
	s1 =	sshrl.u32 s1, $0x2  }
0xb9: {  	s3 =	sand.u32 $0x4000, s31;
	s1 =	sadd.s32 s1, s30  }
0xba: {  	s0 =	sor.u32 s3, s0;
	s1 =	sshll.u32 s1, $0x11  }
0xbb: {  	s0 =	sor.u32 s1, s0  }
0xbc: {  	s0 =	sadd.s32 $0x8F2B, s0  }
0xbd: {  	[sflag:s0] =	ssyncadd.remote.s32 $0x1  }
0xbe: {  	_ =	sfence.sel $0xFFFF  }
0xbf: {  	[dreg:$0x0] =	wrdreg $0xFFFFFFFF;
	(pc) =	sbr.abs _section_cstart, $3  }
0xc0: {  	[dreg:$0x1] =	wrdreg $0xFFFFFFFF  }
0xc1: {  	_ =	task.clear_ibuf [dreg:s7], $0x2FFFF;
	_ =	strace $0x9FFFFFFF  }
0xc2: {  	(tm) =	ssettm $0x7FFFFFFF  }
0xc3: {  	_ =	shalt  }
tec
execute0_lowered:
.L_overlay_start_1:
0x0: {  	(tag) =	ssettag $0x1  }
0x1: {  	s1 =	srdreg.scid  }
0x2: {  	s3 =	rddreg [dreg:$0x0];
	s0 =	stileid.u32  }
0x3: {  	s4 =	rddreg [dreg:$0x1];
	s2 =	simm.s32 $0x0;
	s24 =	simm.s32 $0x8A00  }
0x4: {  	s25 =	simm.s32 $0x9200;
	s7 =	simm.s32 $0xAA00;
	[smem:$0x7FF] =	sst s2  }
0x5: {  	s8 =	simm.s32 $0xB200;
	_ =	strace $0x80000047;
	[dreg:$0xc] =	wrdreg s24  }
0x6: {  	s5 =	sshll.u32 s0, $0xA;
	s0 =	simm.s32 $0x9A00;
	[dreg:$0xd] =	wrdreg s25  }
0x7: {  	s9 =	simm.s32 $0xBA00;
	s10 =	simm.s32 $0xCA00;
	[dreg:$0xe] =	wrdreg s0  }
0x8: {  	s11 =	simm.s32 $0xD200;
	s12 =	simm.s32 $0xDA00;
	[dreg:$0x10] =	wrdreg s7  }
0x9: {  	s13 =	simm.s32 $0xE200;
	s14 =	simm.s32 $0xEA00;
	[dreg:$0x11] =	wrdreg s8  }
0xa: {  	s15 =	simm.s32 $0xF200;
	s28 =	simm.s32 $0x16A00;
	[dreg:$0x12] =	wrdreg s9  }
0xb: {  	s29 =	simm.s32 $0x17200;
	s30 =	simm.s32 $0x17A00;
	[dreg:$0x13] =	wrdreg s10  }
0xc: {  	s31 =	simm.s32 $0x1;
	s1 =	sand.u32 $0x1, s1;
	[dreg:$0x14] =	wrdreg s11  }
0xd: {  	s6 =	sshll.u32 s1, $0x9;
	s1 =	ssub.s32 $0x2, s1;
	[dreg:$0x15] =	wrdreg s12  }
0xe: {  	s7 =	simm.s32 $0xA00;
	s8 =	simm.s32 $0x1200;
	[dreg:$0x16] =	wrdreg s13  }
0xf: {  	s9 =	simm.s32 $0x1A00;
	s10 =	simm.s32 $0x2200;
	[dreg:$0x17] =	wrdreg s14  }
0x10: {  	s11 =	simm.s32 $0x2A00;
	[dreg:$0x18] =	wrdreg s15;
	s24 =	simm.s32 $0x14A00  }
0x11: {  	s25 =	simm.s32 $0x15200;
	s5 =	sor.u32 s6, s5;
	[smem:$0x7FB] =	sst s24  }
0x12: {  	s26 =	sshrl.u32 s1, $0x1;
	[smem:$0x7FC] =	sst s25;
	s6 =	sshll.u32 s5, $0x5  }
0x13: {  	s5 =	sshrl.u32 s5, $0x3;
	s1 =	ssub.s32 s1, s26;
	s26 =	simm.s32 $0x15A00  }
0x14: {  	s6 =	sadd.s32 s6, s3;
	s4 =	sadd.s32 s4, s5;
	[smem:$0x7FD] =	sst s26  }
0x15: {  	s12 =	simm.s32 $0x3200;
	[dreg:$0x3] =	wrdreg s4;
	s16 =	sadd.s32 $0x30D800, s6  }
0x16: {  	s13 =	simm.s32 $0x3A00;
	s17 =	sadd.s32 $0x30E000, s6;
	[dreg:$0x4] =	wrdreg s16  }
0x17: {  	s14 =	simm.s32 $0x4200;
	s18 =	sadd.s32 $0x30E800, s6;
	[dreg:$0x5] =	wrdreg s17  }
0x18: {  	s15 =	simm.s32 $0x4A00;
	s19 =	sadd.s32 $0x30F000, s6;
	[dreg:$0x6] =	wrdreg s18  }
0x19: {  	s24 =	simm.s32 $0x10200;
	s20 =	sadd.s32 $0x30F800, s6;
	[dreg:$0x7] =	wrdreg s19  }
0x1a: {  	s25 =	simm.s32 $0x14200;
	s21 =	sadd.s32 $0x310000, s6;
	[dreg:$0x8] =	wrdreg s20  }
0x1b: {  	s3 =	sadd.s32 $0x400, s3;
	s22 =	sadd.s32 $0x310800, s6;
	[dreg:$0x9] =	wrdreg s21  }
0x1c: {  	s5 =	simm.s32 $0x3;
	s23 =	sadd.s32 $0x311000, s6;
	[dreg:$0xa] =	wrdreg s22  }
0x1d: {  	s6 =	simm.s32 $0xA200;
	s4 =	smax.u32 s1, $0x1;
	[dreg:$0xb] =	wrdreg s23  }
0x1e: {  	s1 =	simm.s32 $0x2;
	[dreg:$0xf] =	wrdreg s6;
	s16 =	simm.s32 $0xFA00  }
0x1f: {  	s6 =	simm.s32 $0x200;
	s17 =	simm.s32 $0x10A00;
	[dreg:$0x19] =	wrdreg s16  }
0x20: {  	s18 =	simm.s32 $0x11200;
	s19 =	simm.s32 $0x11A00;
	[dreg:$0x1a] =	wrdreg s17  }
0x21: {  	s20 =	simm.s32 $0x12200;
	s21 =	simm.s32 $0x12A00;
	[dreg:$0x1b] =	wrdreg s18  }
0x22: {  	s22 =	simm.s32 $0x13200;
	s23 =	simm.s32 $0x13A00;
	[dreg:$0x1c] =	wrdreg s19  }
0x23: {  	s16 =	simm.s32 $0x5200;
	s17 =	simm.s32 $0x5A00;
	[dreg:$0x1d] =	wrdreg s20  }
0x24: {  	v2 =	vlaneseq.u32;
	s18 =	simm.s32 $0x6200;
	s19 =	simm.s32 $0x6A00;
	[dreg:$0x1e] =	wrdreg s21  }
0x25: {  	vm0 =	vmmov $0xffff;
	v1 =	vshrl.u32 v2, $0x3;
	s20 =	simm.s32 $0x7200;
	[dreg:$0x1f] =	wrdreg s22;
	s21 =	simm.s32 $0x7A00  }
0x26: {  	v0 =	vand.u32 $0x7, v2;
	v2 =	vor.u32 $0x8, v2;
	v1 =	vmul.u32 $0x8, v1;
	[smem:$0x7FA] =	sst s23;
	s22 =	simm.s32 $0x8200;
	s23 =	simm.s32 $0xC200  }
.LBB2_1:
0x27: {  	s0 =	rddreg [dreg:$0x3]  }
0x28: {  	[tilespmem:s2], [sflag:$0x3] =	stream.linear.gather [hbm4b:s0+s2], $0x200, $0x38;
	[tilespmem:$0x18200] =	vst v63  }
0x29: {  	_ =	swait.ge [sflag:s5], $0x200  }
0x2a: {  	[sflag:s5] =	ssyncset.done $0x0  }
0x2b: {  	[sflag:s5] =	ssyncadd.s32 $0xFFFFFE00  }
0x2c: {  	v3 =	vld [tilespmem:$0x0];
	_ =	sdelay $0x4  }
0x2d: {  	v4 =	vshll.u32 v3, $0x1  }
0x2e: {  	v3 =	vand.u32 $0x7, v3;
	v4 =	vand.u32 $0xFFFFFFF0, v4  }
0x2f: {  	v3 =	vor.u32 v3, v4  }
0x30: {  	v4 =	vperm.xlane v3, v0;
	_ =	sdelay $0x1  }
0x31: {  	v3 =	vperm.xlane v3, v2;
	v4 =	vadd.s32 v1, v4;
	_ =	sdelay $0x1  }
0x32: {  	v3 =	vadd.s32 v1, v3;
	_ =	sdelay $0x2  }
0x33: {  	[tilespmem:s6], [sflag:$0x1] =	stream.indirect_vreg.gather [hbm4b:s3+s2], $0x80, v4, vm0, $0xb8;
	[tilespmem:$0x18200] =	vst v63  }
0x34: {  	_ = 	snop  }
0x35: {  	[tilespmem:s7], [sflag:$0x1] =	stream.indirect_vreg.gather [hbm4b:s3+s2], $0x80, v3, vm0, $0xb8;
	[tilespmem:$0x18200] =	vst v63  }
0x36: {  	v3 =	vld [tilespmem:$0x10];
	_ =	sdelay $0x4  }
0x37: {  	v33 =	vshll.u32 v3, $0x1  }
0x38: {  	v3 =	vand.u32 $0x7, v3;
	v4 =	vand.u32 $0xFFFFFFF0, v33  }
0x39: {  	v3 =	vor.u32 v3, v4  }
0x3a: {  	v4 =	vperm.xlane v3, v0;
	_ =	sdelay $0x1  }
0x3b: {  	v3 =	vperm.xlane v3, v2;
	v4 =	vadd.s32 v1, v4;
	_ =	sdelay $0x1  }
0x3c: {  	v3 =	vadd.s32 v1, v3;
	_ =	sdelay $0x2  }
0x3d: {  	[tilespmem:s8], [sflag:$0x1] =	stream.indirect_vreg.gather [hbm4b:s3+s2], $0x80, v4, vm0, $0xb8;
	[tilespmem:$0x18200] =	vst v63  }
0x3e: {  	_ = 	snop  }
0x3f: {  	[tilespmem:s9], [sflag:$0x1] =	stream.indirect_vreg.gather [hbm4b:s3+s2], $0x80, v3, vm0, $0xb8;
	[tilespmem:$0x18200] =	vst v63  }
0x40: {  	v3 =	vld [tilespmem:$0x20];
	_ =	sdelay $0x4  }
0x41: {  	v34 =	vshll.u32 v3, $0x1  }
0x42: {  	v3 =	vand.u32 $0x7, v3;
	v4 =	vand.u32 $0xFFFFFFF0, v34  }
0x43: {  	v3 =	vor.u32 v3, v4  }
0x44: {  	v4 =	vperm.xlane v3, v0;
	_ =	sdelay $0x1  }
0x45: {  	v3 =	vperm.xlane v3, v2;
	v4 =	vadd.s32 v1, v4;
	_ =	sdelay $0x1  }
0x46: {  	v3 =	vadd.s32 v1, v3;
	_ =	sdelay $0x2  }
0x47: {  	[tilespmem:s10], [sflag:$0x1] =	stream.indirect_vreg.gather [hbm4b:s3+s2], $0x80, v4, vm0, $0xb8;
	[tilespmem:$0x18200] =	vst v63  }
0x48: {  	_ = 	snop  }
0x49: {  	[tilespmem:s11], [sflag:$0x1] =	stream.indirect_vreg.gather [hbm4b:s3+s2], $0x80, v3, vm0, $0xb8;
	[tilespmem:$0x18200] =	vst v63  }
0x4a: {  	v3 =	vld [tilespmem:$0x30];
	_ =	sdelay $0x4  }
0x4b: {  	v35 =	vshll.u32 v3, $0x1  }
0x4c: {  	v3 =	vand.u32 $0x7, v3;
	v4 =	vand.u32 $0xFFFFFFF0, v35  }
0x4d: {  	v3 =	vor.u32 v3, v4  }
0x4e: {  	v4 =	vperm.xlane v3, v0;
	_ =	sdelay $0x1  }
0x4f: {  	v3 =	vperm.xlane v3, v2;
	v4 =	vadd.s32 v1, v4;
	_ =	sdelay $0x1  }
0x50: {  	v3 =	vadd.s32 v1, v3;
	_ =	sdelay $0x2  }
0x51: {  	[tilespmem:s12], [sflag:$0x1] =	stream.indirect_vreg.gather [hbm4b:s3+s2], $0x80, v4, vm0, $0xb8;
	[tilespmem:$0x18200] =	vst v63  }
0x52: {  	_ = 	snop  }
0x53: {  	[tilespmem:s13], [sflag:$0x1] =	stream.indirect_vreg.gather [hbm4b:s3+s2], $0x80, v3, vm0, $0xb8;
	[tilespmem:$0x18200] =	vst v63  }
0x54: {  	v3 =	vld [tilespmem:$0x40];
	_ =	sdelay $0x4  }
0x55: {  	v36 =	vshll.u32 v3, $0x1  }
0x56: {  	v3 =	vand.u32 $0x7, v3;
	v4 =	vand.u32 $0xFFFFFFF0, v36  }
0x57: {  	v3 =	vor.u32 v3, v4  }
0x58: {  	v4 =	vperm.xlane v3, v0;
	_ =	sdelay $0x1  }
0x59: {  	v3 =	vperm.xlane v3, v2;
	v4 =	vadd.s32 v1, v4;
	_ =	sdelay $0x1  }
0x5a: {  	v3 =	vadd.s32 v1, v3;
	_ =	sdelay $0x2  }
0x5b: {  	[tilespmem:s14], [sflag:$0x1] =	stream.indirect_vreg.gather [hbm4b:s3+s2], $0x80, v4, vm0, $0xb8;
	[tilespmem:$0x18200] =	vst v63  }
0x5c: {  	_ = 	snop  }
0x5d: {  	[tilespmem:s15], [sflag:$0x1] =	stream.indirect_vreg.gather [hbm4b:s3+s2], $0x80, v3, vm0, $0xb8;
	[tilespmem:$0x18200] =	vst v63  }
0x5e: {  	v3 =	vld [tilespmem:$0x50];
	_ =	sdelay $0x4  }
0x5f: {  	v37 =	vshll.u32 v3, $0x1  }
0x60: {  	v3 =	vand.u32 $0x7, v3;
	v4 =	vand.u32 $0xFFFFFFF0, v37  }
0x61: {  	v3 =	vor.u32 v3, v4  }
0x62: {  	v4 =	vperm.xlane v3, v0;
	_ =	sdelay $0x1  }
0x63: {  	v3 =	vperm.xlane v3, v2;
	v4 =	vadd.s32 v1, v4;
	_ =	sdelay $0x1  }
0x64: {  	v3 =	vadd.s32 v1, v3;
	_ =	sdelay $0x2  }
0x65: {  	[tilespmem:s16], [sflag:$0x1] =	stream.indirect_vreg.gather [hbm4b:s3+s2], $0x80, v4, vm0, $0xb8;
	[tilespmem:$0x18200] =	vst v63  }
0x66: {  	_ = 	snop  }
0x67: {  	[tilespmem:s17], [sflag:$0x1] =	stream.indirect_vreg.gather [hbm4b:s3+s2], $0x80, v3, vm0, $0xb8;
	[tilespmem:$0x18200] =	vst v63  }
0x68: {  	v3 =	vld [tilespmem:$0x60];
	_ =	sdelay $0x4  }
0x69: {  	v38 =	vshll.u32 v3, $0x1  }
0x6a: {  	v3 =	vand.u32 $0x7, v3;
	v4 =	vand.u32 $0xFFFFFFF0, v38  }
0x6b: {  	v3 =	vor.u32 v3, v4  }
0x6c: {  	v4 =	vperm.xlane v3, v0;
	_ =	sdelay $0x1  }
0x6d: {  	v3 =	vperm.xlane v3, v2;
	v4 =	vadd.s32 v1, v4;
	_ =	sdelay $0x1  }
0x6e: {  	v3 =	vadd.s32 v1, v3;
	_ =	sdelay $0x2  }
0x6f: {  	[tilespmem:s18], [sflag:$0x1] =	stream.indirect_vreg.gather [hbm4b:s3+s2], $0x80, v4, vm0, $0xb8;
	[tilespmem:$0x18200] =	vst v63  }
0x70: {  	_ = 	snop  }
0x71: {  	[tilespmem:s19], [sflag:$0x1] =	stream.indirect_vreg.gather [hbm4b:s3+s2], $0x80, v3, vm0, $0xb8;
	[tilespmem:$0x18200] =	vst v63  }
0x72: {  	v3 =	vld [tilespmem:$0x70];
	_ =	sdelay $0x4  }
0x73: {  	v39 =	vshll.u32 v3, $0x1  }
0x74: {  	v3 =	vand.u32 $0x7, v3;
	v4 =	vand.u32 $0xFFFFFFF0, v39  }
0x75: {  	v3 =	vor.u32 v3, v4  }
0x76: {  	v4 =	vperm.xlane v3, v0;
	_ =	sdelay $0x1  }
0x77: {  	v3 =	vperm.xlane v3, v2;
	v4 =	vadd.s32 v1, v4;
	_ =	sdelay $0x1  }
0x78: {  	v3 =	vadd.s32 v1, v3;
	_ =	sdelay $0x2  }
0x79: {  	[tilespmem:s20], [sflag:$0x1] =	stream.indirect_vreg.gather [hbm4b:s3+s2], $0x80, v4, vm0, $0xb8;
	[tilespmem:$0x18200] =	vst v63  }
0x7a: {  	_ = 	snop  }
0x7b: {  	[tilespmem:s21], [sflag:$0x1] =	stream.indirect_vreg.gather [hbm4b:s3+s2], $0x80, v3, vm0, $0xb8;
	[tilespmem:$0x18200] =	vst v63  }
0x7c: {  	v3 =	vld [tilespmem:$0x80];
	_ =	sdelay $0x4  }
0x7d: {  	v40 =	vshll.u32 v3, $0x1  }
0x7e: {  	v3 =	vand.u32 $0x7, v3;
	v4 =	vand.u32 $0xFFFFFFF0, v40  }
0x7f: {  	v3 =	vor.u32 v3, v4  }
0x80: {  	v4 =	vperm.xlane v3, v0;
	_ =	sdelay $0x1  }
0x81: {  	v3 =	vperm.xlane v3, v2;
	v4 =	vadd.s32 v1, v4;
	_ =	sdelay $0x1  }
0x82: {  	v3 =	vadd.s32 v1, v3;
	_ =	sdelay $0x2  }
0x83: {  	[tilespmem:s22], [sflag:$0x1] =	stream.indirect_vreg.gather [hbm4b:s3+s2], $0x80, v4, vm0, $0xb8;
	[tilespmem:$0x18200] =	vst v63  }
0x84: {  	s26 =	rddreg [dreg:$0xc]  }
0x85: {  	[tilespmem:s26], [sflag:$0x1] =	stream.indirect_vreg.gather [hbm4b:s3+s2], $0x80, v3, vm0, $0xb8;
	[tilespmem:$0x18200] =	vst v63  }
0x86: {  	v3 =	vld [tilespmem:$0x90];
	_ =	sdelay $0x4  }
0x87: {  	v41 =	vshll.u32 v3, $0x1  }
0x88: {  	v3 =	vand.u32 $0x7, v3;
	v4 =	vand.u32 $0xFFFFFFF0, v41  }
0x89: {  	v3 =	vor.u32 v3, v4  }
0x8a: {  	v4 =	vperm.xlane v3, v0;
	_ =	sdelay $0x1  }
0x8b: {  	v3 =	vperm.xlane v3, v2;
	v4 =	vadd.s32 v1, v4;
	_ =	sdelay $0x1  }
0x8c: {  	v3 =	vadd.s32 v1, v3;
	_ =	sdelay $0x1  }
0x8d: {  	s0 =	rddreg [dreg:$0xd]  }
0x8e: {  	[tilespmem:s0], [sflag:$0x1] =	stream.indirect_vreg.gather [hbm4b:s3+s2], $0x80, v4, vm0, $0xb8;
	[tilespmem:$0x18200] =	vst v63  }
0x8f: {  	s26 =	rddreg [dreg:$0xe]  }
0x90: {  	[tilespmem:s26], [sflag:$0x1] =	stream.indirect_vreg.gather [hbm4b:s3+s2], $0x80, v3, vm0, $0xb8;
	[tilespmem:$0x18200] =	vst v63  }
0x91: {  	v3 =	vld [tilespmem:$0xA0];
	_ =	sdelay $0x4  }
0x92: {  	v42 =	vshll.u32 v3, $0x1  }
0x93: {  	v3 =	vand.u32 $0x7, v3;
	v4 =	vand.u32 $0xFFFFFFF0, v42  }
0x94: {  	v3 =	vor.u32 v3, v4  }
0x95: {  	v4 =	vperm.xlane v3, v0;
	_ =	sdelay $0x1  }
0x96: {  	v3 =	vperm.xlane v3, v2;
	v4 =	vadd.s32 v1, v4;
	_ =	sdelay $0x1  }
0x97: {  	v3 =	vadd.s32 v1, v3;
	_ =	sdelay $0x1  }
0x98: {  	s0 =	rddreg [dreg:$0xf]  }
0x99: {  	[tilespmem:s0], [sflag:$0x1] =	stream.indirect_vreg.gather [hbm4b:s3+s2], $0x80, v4, vm0, $0xb8;
	[tilespmem:$0x18200] =	vst v63  }
0x9a: {  	s26 =	rddreg [dreg:$0x10]  }
0x9b: {  	[tilespmem:s26], [sflag:$0x1] =	stream.indirect_vreg.gather [hbm4b:s3+s2], $0x80, v3, vm0, $0xb8;
	[tilespmem:$0x18200] =	vst v63  }
0x9c: {  	v3 =	vld [tilespmem:$0xB0];
	_ =	sdelay $0x4  }
0x9d: {  	v43 =	vshll.u32 v3, $0x1  }
0x9e: {  	v3 =	vand.u32 $0x7, v3;
	v4 =	vand.u32 $0xFFFFFFF0, v43  }
0x9f: {  	v3 =	vor.u32 v3, v4  }
0xa0: {  	v4 =	vperm.xlane v3, v0;
	_ =	sdelay $0x1  }
0xa1: {  	v3 =	vperm.xlane v3, v2;
	v4 =	vadd.s32 v1, v4;
	_ =	sdelay $0x1  }
0xa2: {  	v3 =	vadd.s32 v1, v3;
	_ =	sdelay $0x1  }
0xa3: {  	s0 =	rddreg [dreg:$0x11]  }
0xa4: {  	[tilespmem:s0], [sflag:$0x1] =	stream.indirect_vreg.gather [hbm4b:s3+s2], $0x80, v4, vm0, $0xb8;
	[tilespmem:$0x18200] =	vst v63  }
0xa5: {  	s26 =	rddreg [dreg:$0x12]  }
0xa6: {  	[tilespmem:s26], [sflag:$0x1] =	stream.indirect_vreg.gather [hbm4b:s3+s2], $0x80, v3, vm0, $0xb8;
	[tilespmem:$0x18200] =	vst v63  }
0xa7: {  	v3 =	vld [tilespmem:$0xC0];
	_ =	sdelay $0x4  }
0xa8: {  	v44 =	vshll.u32 v3, $0x1  }
0xa9: {  	v3 =	vand.u32 $0x7, v3;
	v4 =	vand.u32 $0xFFFFFFF0, v44  }
0xaa: {  	v3 =	vor.u32 v3, v4  }
0xab: {  	v4 =	vperm.xlane v3, v0;
	_ =	sdelay $0x1  }
0xac: {  	v3 =	vperm.xlane v3, v2;
	v4 =	vadd.s32 v1, v4;
	_ =	sdelay $0x1  }
0xad: {  	v3 =	vadd.s32 v1, v3;
	_ =	sdelay $0x2  }
0xae: {  	[tilespmem:s23], [sflag:$0x1] =	stream.indirect_vreg.gather [hbm4b:s3+s2], $0x80, v4, vm0, $0xb8;
	[tilespmem:$0x18200] =	vst v63  }
0xaf: {  	s26 =	rddreg [dreg:$0x13]  }
0xb0: {  	[tilespmem:s26], [sflag:$0x1] =	stream.indirect_vreg.gather [hbm4b:s3+s2], $0x80, v3, vm0, $0xb8;
	[tilespmem:$0x18200] =	vst v63  }
0xb1: {  	v3 =	vld [tilespmem:$0xD0];
	_ =	sdelay $0x4  }
0xb2: {  	v45 =	vshll.u32 v3, $0x1  }
0xb3: {  	v3 =	vand.u32 $0x7, v3;
	v4 =	vand.u32 $0xFFFFFFF0, v45  }
0xb4: {  	v3 =	vor.u32 v3, v4  }
0xb5: {  	v4 =	vperm.xlane v3, v0;
	_ =	sdelay $0x1  }
0xb6: {  	v3 =	vperm.xlane v3, v2;
	v4 =	vadd.s32 v1, v4;
	_ =	sdelay $0x1  }
0xb7: {  	v3 =	vadd.s32 v1, v3;
	_ =	sdelay $0x1  }
0xb8: {  	s0 =	rddreg [dreg:$0x14]  }
0xb9: {  	[tilespmem:s0], [sflag:$0x1] =	stream.indirect_vreg.gather [hbm4b:s3+s2], $0x80, v4, vm0, $0xb8;
	[tilespmem:$0x18200] =	vst v63  }
0xba: {  	s26 =	rddreg [dreg:$0x15]  }
0xbb: {  	[tilespmem:s26], [sflag:$0x1] =	stream.indirect_vreg.gather [hbm4b:s3+s2], $0x80, v3, vm0, $0xb8;
	[tilespmem:$0x18200] =	vst v63  }
0xbc: {  	v3 =	vld [tilespmem:$0xE0];
	_ =	sdelay $0x4  }
0xbd: {  	v46 =	vshll.u32 v3, $0x1  }
0xbe: {  	v3 =	vand.u32 $0x7, v3;
	v4 =	vand.u32 $0xFFFFFFF0, v46  }
0xbf: {  	v3 =	vor.u32 v3, v4  }
0xc0: {  	v4 =	vperm.xlane v3, v0;
	_ =	sdelay $0x1  }
0xc1: {  	v3 =	vperm.xlane v3, v2;
	v4 =	vadd.s32 v1, v4;
	_ =	sdelay $0x1  }
0xc2: {  	v3 =	vadd.s32 v1, v3;
	_ =	sdelay $0x1  }
0xc3: {  	s0 =	rddreg [dreg:$0x16]  }
0xc4: {  	[tilespmem:s0], [sflag:$0x1] =	stream.indirect_vreg.gather [hbm4b:s3+s2], $0x80, v4, vm0, $0xb8;
	[tilespmem:$0x18200] =	vst v63  }
0xc5: {  	s26 =	rddreg [dreg:$0x17]  }
0xc6: {  	[tilespmem:s26], [sflag:$0x1] =	stream.indirect_vreg.gather [hbm4b:s3+s2], $0x80, v3, vm0, $0xb8;
	[tilespmem:$0x18200] =	vst v63  }
0xc7: {  	v3 =	vld [tilespmem:$0xF0];
	_ =	sdelay $0x4  }
0xc8: {  	v47 =	vshll.u32 v3, $0x1  }
0xc9: {  	v3 =	vand.u32 $0x7, v3;
	v4 =	vand.u32 $0xFFFFFFF0, v47  }
0xca: {  	v3 =	vor.u32 v3, v4  }
0xcb: {  	v4 =	vperm.xlane v3, v0;
	_ =	sdelay $0x1  }
0xcc: {  	v3 =	vperm.xlane v3, v2;
	v4 =	vadd.s32 v1, v4;
	_ =	sdelay $0x1  }
0xcd: {  	v3 =	vadd.s32 v1, v3;
	_ =	sdelay $0x1  }
0xce: {  	s0 =	rddreg [dreg:$0x18]  }
0xcf: {  	[tilespmem:s0], [sflag:$0x1] =	stream.indirect_vreg.gather [hbm4b:s3+s2], $0x80, v4, vm0, $0xb8;
	[tilespmem:$0x18200] =	vst v63  }
0xd0: {  	s26 =	rddreg [dreg:$0x19]  }
0xd1: {  	[tilespmem:s26], [sflag:$0x1] =	stream.indirect_vreg.gather [hbm4b:s3+s2], $0x80, v3, vm0, $0xb8;
	[tilespmem:$0x18200] =	vst v63  }
0xd2: {  	v3 =	vld [tilespmem:$0x100];
	_ =	sdelay $0x4  }
0xd3: {  	v48 =	vshll.u32 v3, $0x1  }
0xd4: {  	v3 =	vand.u32 $0x7, v3;
	v4 =	vand.u32 $0xFFFFFFF0, v48  }
0xd5: {  	v3 =	vor.u32 v3, v4  }
0xd6: {  	v4 =	vperm.xlane v3, v0;
	_ =	sdelay $0x1  }
0xd7: {  	v3 =	vperm.xlane v3, v2;
	v4 =	vadd.s32 v1, v4;
	_ =	sdelay $0x1  }
0xd8: {  	v3 =	vadd.s32 v1, v3;
	_ =	sdelay $0x2  }
0xd9: {  	[tilespmem:s24], [sflag:$0x1] =	stream.indirect_vreg.gather [hbm4b:s3+s2], $0x80, v4, vm0, $0xb8;
	[tilespmem:$0x18200] =	vst v63  }
0xda: {  	s26 =	rddreg [dreg:$0x1a]  }
0xdb: {  	[tilespmem:s26], [sflag:$0x1] =	stream.indirect_vreg.gather [hbm4b:s3+s2], $0x80, v3, vm0, $0xb8;
	[tilespmem:$0x18200] =	vst v63  }
0xdc: {  	v3 =	vld [tilespmem:$0x110];
	_ =	sdelay $0x4  }
0xdd: {  	v49 =	vshll.u32 v3, $0x1  }
0xde: {  	v3 =	vand.u32 $0x7, v3;
	v4 =	vand.u32 $0xFFFFFFF0, v49  }
0xdf: {  	v3 =	vor.u32 v3, v4  }
0xe0: {  	v4 =	vperm.xlane v3, v0;
	_ =	sdelay $0x1  }
0xe1: {  	v3 =	vperm.xlane v3, v2;
	v4 =	vadd.s32 v1, v4;
	_ =	sdelay $0x1  }
0xe2: {  	v3 =	vadd.s32 v1, v3;
	_ =	sdelay $0x1  }
0xe3: {  	s0 =	rddreg [dreg:$0x1b]  }
0xe4: {  	[tilespmem:s0], [sflag:$0x1] =	stream.indirect_vreg.gather [hbm4b:s3+s2], $0x80, v4, vm0, $0xb8;
	[tilespmem:$0x18200] =	vst v63  }
0xe5: {  	s26 =	rddreg [dreg:$0x1c]  }
0xe6: {  	[tilespmem:s26], [sflag:$0x1] =	stream.indirect_vreg.gather [hbm4b:s3+s2], $0x80, v3, vm0, $0xb8;
	[tilespmem:$0x18200] =	vst v63  }
0xe7: {  	v3 =	vld [tilespmem:$0x120];
	_ =	sdelay $0x4  }
0xe8: {  	v50 =	vshll.u32 v3, $0x1  }
0xe9: {  	v3 =	vand.u32 $0x7, v3;
	v4 =	vand.u32 $0xFFFFFFF0, v50  }
0xea: {  	v3 =	vor.u32 v3, v4  }
0xeb: {  	v4 =	vperm.xlane v3, v0;
	_ =	sdelay $0x1  }
0xec: {  	v3 =	vperm.xlane v3, v2;
	v4 =	vadd.s32 v1, v4;
	_ =	sdelay $0x1  }
0xed: {  	v3 =	vadd.s32 v1, v3;
	_ =	sdelay $0x1  }
0xee: {  	s0 =	rddreg [dreg:$0x1d]  }
0xef: {  	[tilespmem:s0], [sflag:$0x1] =	stream.indirect_vreg.gather [hbm4b:s3+s2], $0x80, v4, vm0, $0xb8;
	[tilespmem:$0x18200] =	vst v63  }
0xf0: {  	s26 =	rddreg [dreg:$0x1e]  }
0xf1: {  	[tilespmem:s26], [sflag:$0x1] =	stream.indirect_vreg.gather [hbm4b:s3+s2], $0x80, v3, vm0, $0xb8;
	[tilespmem:$0x18200] =	vst v63  }
0xf2: {  	v3 =	vld [tilespmem:$0x130];
	_ =	sdelay $0x4  }
0xf3: {  	v51 =	vshll.u32 v3, $0x1  }
0xf4: {  	v3 =	vand.u32 $0x7, v3;
	v4 =	vand.u32 $0xFFFFFFF0, v51  }
0xf5: {  	v3 =	vor.u32 v3, v4  }
0xf6: {  	v4 =	vperm.xlane v3, v0;
	_ =	sdelay $0x1  }
0xf7: {  	v3 =	vperm.xlane v3, v2;
	v4 =	vadd.s32 v1, v4;
	_ =	sdelay $0x1  }
0xf8: {  	v3 =	vadd.s32 v1, v3  }
0xf9: {  	s0 =	rddreg [dreg:$0x1f]  }
0xfa: {  	s26 =	sld [smem:$0x7FA]  }
0xfb: {  	[tilespmem:s0], [sflag:$0x1] =	stream.indirect_vreg.gather [hbm4b:s3+s2], $0x80, v4, vm0, $0xb8;
	[tilespmem:$0x18200] =	vst v63  }
0xfc: {  	_ = 	snop  }
0xfd: {  	[tilespmem:s26], [sflag:$0x1] =	stream.indirect_vreg.gather [hbm4b:s3+s2], $0x80, v3, vm0, $0xb8;
	[tilespmem:$0x18200] =	vst v63  }
0xfe: {  	v3 =	vld [tilespmem:$0x140];
	_ =	sdelay $0x4  }
0xff: {  	v52 =	vshll.u32 v3, $0x1  }
0x100: {  	v3 =	vand.u32 $0x7, v3;
	v4 =	vand.u32 $0xFFFFFFF0, v52  }
0x101: {  	v3 =	vor.u32 v3, v4  }
0x102: {  	v4 =	vperm.xlane v3, v0;
	_ =	sdelay $0x1  }
0x103: {  	v3 =	vperm.xlane v3, v2;
	v4 =	vadd.s32 v1, v4;
	_ =	sdelay $0x1  }
0x104: {  	v3 =	vadd.s32 v1, v3;
	_ =	sdelay $0x1  }
0x105: {  	s26 =	sld [smem:$0x7FB]  }
0x106: {  	[tilespmem:s25], [sflag:$0x1] =	stream.indirect_vreg.gather [hbm4b:s3+s2], $0x80, v4, vm0, $0xb8;
	[tilespmem:$0x18200] =	vst v63  }
0x107: {  	_ = 	snop  }
0x108: {  	[tilespmem:s26], [sflag:$0x1] =	stream.indirect_vreg.gather [hbm4b:s3+s2], $0x80, v3, vm0, $0xb8;
	[tilespmem:$0x18200] =	vst v63  }
0x109: {  	v3 =	vld [tilespmem:$0x150];
	_ =	sdelay $0x4  }
0x10a: {  	v53 =	vshll.u32 v3, $0x1  }
0x10b: {  	v3 =	vand.u32 $0x7, v3;
	v4 =	vand.u32 $0xFFFFFFF0, v53  }
0x10c: {  	v3 =	vor.u32 v3, v4  }
0x10d: {  	v4 =	vperm.xlane v3, v0;
	_ =	sdelay $0x1  }
0x10e: {  	v3 =	vperm.xlane v3, v2;
	v4 =	vadd.s32 v1, v4;
	_ =	sdelay $0x1  }
0x10f: {  	s0 =	sld [smem:$0x7FC];
	v3 =	vadd.s32 v1, v3;
	_ =	sdelay $0x1  }
0x110: {  	s26 =	sld [smem:$0x7FD]  }
0x111: {  	[tilespmem:s0], [sflag:$0x1] =	stream.indirect_vreg.gather [hbm4b:s3+s2], $0x80, v4, vm0, $0xb8;
	[tilespmem:$0x18200] =	vst v63  }
0x112: {  	_ = 	snop  }
0x113: {  	[tilespmem:s26], [sflag:$0x1] =	stream.indirect_vreg.gather [hbm4b:s3+s2], $0x80, v3, vm0, $0xb8;
	[tilespmem:$0x18200] =	vst v63  }
0x114: {  	v3 =	vld [tilespmem:$0x160];
	_ =	sdelay $0x4  }
0x115: {  	v54 =	vshll.u32 v3, $0x1  }
0x116: {  	v3 =	vand.u32 $0x7, v3;
	v4 =	vand.u32 $0xFFFFFFF0, v54  }
0x117: {  	v3 =	vor.u32 v3, v4  }
0x118: {  	v4 =	vperm.xlane v3, v0;
	_ =	sdelay $0x1  }
0x119: {  	v3 =	vperm.xlane v3, v2;
	v4 =	vadd.s32 v1, v4;
	_ =	sdelay $0x1  }
0x11a: {  	v3 =	vadd.s32 v1, v3;
	_ =	sdelay $0x1  }
0x11b: {  	s26 =	simm.s32 $0x16200  }
0x11c: {  	[tilespmem:s26], [sflag:$0x1] =	stream.indirect_vreg.gather [hbm4b:s3+s2], $0x80, v4, vm0, $0xb8;
	[tilespmem:$0x18200] =	vst v63  }
0x11d: {  	_ = 	snop  }
0x11e: {  	[tilespmem:s28], [sflag:$0x1] =	stream.indirect_vreg.gather [hbm4b:s3+s2], $0x80, v3, vm0, $0xb8;
	[tilespmem:$0x18200] =	vst v63  }
0x11f: {  	v3 =	vld [tilespmem:$0x170];
	_ =	sdelay $0x4  }
0x120: {  	v55 =	vshll.u32 v3, $0x1  }
0x121: {  	v3 =	vand.u32 $0x7, v3;
	v4 =	vand.u32 $0xFFFFFFF0, v55  }
0x122: {  	v3 =	vor.u32 v3, v4  }
0x123: {  	v4 =	vperm.xlane v3, v0;
	_ =	sdelay $0x1  }
0x124: {  	v3 =	vperm.xlane v3, v2;
	v4 =	vadd.s32 v1, v4;
	_ =	sdelay $0x1  }
0x125: {  	v3 =	vadd.s32 v1, v3;
	_ =	sdelay $0x2  }
0x126: {  	[tilespmem:s29], [sflag:$0x1] =	stream.indirect_vreg.gather [hbm4b:s3+s2], $0x80, v4, vm0, $0xb8;
	[tilespmem:$0x18200] =	vst v63  }
0x127: {  	_ = 	snop  }
0x128: {  	[tilespmem:s30], [sflag:$0x1] =	stream.indirect_vreg.gather [hbm4b:s3+s2], $0x80, v3, vm0, $0xb8;
	[tilespmem:$0x18200] =	vst v63  }
0x129: {  	_ =	swait.ge [sflag:s31], $0x4000  }
0x12a: {  	[sflag:s31] =	ssyncset.done $0x0  }
0x12b: {  	s26 =	rddreg [dreg:$0x4];
	[sflag:s31] =	ssyncadd.s32 $0xFFFFC000  }
0x12c: {  	[hbm4b:s26+s2] =	stream.linear.scatter [tilespmem:s6], [sflag:$0x2], $0x4000, $0x38;
	[tilespmem:$0x18200] =	vst v63  }
0x12d: {  	_ =	swait.ge [sflag:s1], $0x4000  }
0x12e: {  	[sflag:s1] =	ssyncset.done $0x0  }
0x12f: {  	[sflag:s1] =	ssyncadd.s32 $0xFFFFC000  }
0x130: {  	v3 =	vld [tilespmem:$0x180];
	_ =	sdelay $0x4  }
0x131: {  	v56 =	vshll.u32 v3, $0x1  }
0x132: {  	v3 =	vand.u32 $0x7, v3;
	v4 =	vand.u32 $0xFFFFFFF0, v56  }
0x133: {  	v3 =	vor.u32 v3, v4  }
0x134: {  	v4 =	vperm.xlane v3, v0;
	_ =	sdelay $0x1  }
0x135: {  	v3 =	vperm.xlane v3, v2;
	v4 =	vadd.s32 v1, v4;
	_ =	sdelay $0x1  }
0x136: {  	v3 =	vadd.s32 v1, v3;
	_ =	sdelay $0x2  }
0x137: {  	[tilespmem:s6], [sflag:$0x1] =	stream.indirect_vreg.gather [hbm4b:s3+s2], $0x80, v4, vm0, $0xb8;
	[tilespmem:$0x18200] =	vst v63  }
0x138: {  	_ = 	snop  }
0x139: {  	[tilespmem:s7], [sflag:$0x1] =	stream.indirect_vreg.gather [hbm4b:s3+s2], $0x80, v3, vm0, $0xb8;
	[tilespmem:$0x18200] =	vst v63  }
0x13a: {  	v3 =	vld [tilespmem:$0x190];
	_ =	sdelay $0x4  }
0x13b: {  	v57 =	vshll.u32 v3, $0x1  }
0x13c: {  	v3 =	vand.u32 $0x7, v3;
	v4 =	vand.u32 $0xFFFFFFF0, v57  }
0x13d: {  	v3 =	vor.u32 v3, v4  }
0x13e: {  	v4 =	vperm.xlane v3, v0;
	_ =	sdelay $0x1  }
0x13f: {  	v3 =	vperm.xlane v3, v2;
	v4 =	vadd.s32 v1, v4;
	_ =	sdelay $0x1  }
0x140: {  	v3 =	vadd.s32 v1, v3;
	_ =	sdelay $0x2  }
0x141: {  	[tilespmem:s8], [sflag:$0x1] =	stream.indirect_vreg.gather [hbm4b:s3+s2], $0x80, v4, vm0, $0xb8;
	[tilespmem:$0x18200] =	vst v63  }
0x142: {  	_ = 	snop  }
0x143: {  	[tilespmem:s9], [sflag:$0x1] =	stream.indirect_vreg.gather [hbm4b:s3+s2], $0x80, v3, vm0, $0xb8;
	[tilespmem:$0x18200] =	vst v63  }
0x144: {  	v3 =	vld [tilespmem:$0x1A0];
	_ =	sdelay $0x4  }
0x145: {  	v58 =	vshll.u32 v3, $0x1  }
0x146: {  	v3 =	vand.u32 $0x7, v3;
	v4 =	vand.u32 $0xFFFFFFF0, v58  }
0x147: {  	v3 =	vor.u32 v3, v4  }
0x148: {  	v4 =	vperm.xlane v3, v0;
	_ =	sdelay $0x1  }
0x149: {  	v3 =	vperm.xlane v3, v2;
	v4 =	vadd.s32 v1, v4;
	_ =	sdelay $0x1  }
0x14a: {  	v3 =	vadd.s32 v1, v3;
	_ =	sdelay $0x2  }
0x14b: {  	[tilespmem:s10], [sflag:$0x1] =	stream.indirect_vreg.gather [hbm4b:s3+s2], $0x80, v4, vm0, $0xb8;
	[tilespmem:$0x18200] =	vst v63  }
0x14c: {  	_ = 	snop  }
0x14d: {  	[tilespmem:s11], [sflag:$0x1] =	stream.indirect_vreg.gather [hbm4b:s3+s2], $0x80, v3, vm0, $0xb8;
	[tilespmem:$0x18200] =	vst v63  }
0x14e: {  	v3 =	vld [tilespmem:$0x1B0];
	_ =	sdelay $0x4  }
0x14f: {  	v59 =	vshll.u32 v3, $0x1  }
0x150: {  	v3 =	vand.u32 $0x7, v3;
	v4 =	vand.u32 $0xFFFFFFF0, v59  }
0x151: {  	v3 =	vor.u32 v3, v4  }
0x152: {  	v4 =	vperm.xlane v3, v0;
	_ =	sdelay $0x1  }
0x153: {  	v3 =	vperm.xlane v3, v2;
	v4 =	vadd.s32 v1, v4;
	_ =	sdelay $0x1  }
0x154: {  	v3 =	vadd.s32 v1, v3;
	_ =	sdelay $0x2  }
0x155: {  	[tilespmem:s12], [sflag:$0x1] =	stream.indirect_vreg.gather [hbm4b:s3+s2], $0x80, v4, vm0, $0xb8;
	[tilespmem:$0x18200] =	vst v63  }
0x156: {  	_ = 	snop  }
0x157: {  	[tilespmem:s13], [sflag:$0x1] =	stream.indirect_vreg.gather [hbm4b:s3+s2], $0x80, v3, vm0, $0xb8;
	[tilespmem:$0x18200] =	vst v63  }
0x158: {  	_ =	swait.ge [sflag:s31], $0x4000  }
0x159: {  	[sflag:s31] =	ssyncset.done $0x0  }
0x15a: {  	s26 =	rddreg [dreg:$0x5];
	[sflag:s31] =	ssyncadd.s32 $0xFFFFC000  }
0x15b: {  	[hbm4b:s26+s2] =	stream.linear.scatter [tilespmem:s14], [sflag:$0x2], $0x4000, $0x38;
	[tilespmem:$0x18200] =	vst v63  }
0x15c: {  	_ =	swait.ge [sflag:s1], $0x4000  }
0x15d: {  	[sflag:s1] =	ssyncset.done $0x0  }
0x15e: {  	[sflag:s1] =	ssyncadd.s32 $0xFFFFC000  }
0x15f: {  	v3 =	vld [tilespmem:$0x1C0];
	_ =	sdelay $0x4  }
0x160: {  	v60 =	vshll.u32 v3, $0x1  }
0x161: {  	v3 =	vand.u32 $0x7, v3;
	v4 =	vand.u32 $0xFFFFFFF0, v60  }
0x162: {  	v3 =	vor.u32 v3, v4  }
0x163: {  	v4 =	vperm.xlane v3, v0;
	_ =	sdelay $0x1  }
0x164: {  	v3 =	vperm.xlane v3, v2;
	v4 =	vadd.s32 v1, v4;
	_ =	sdelay $0x1  }
0x165: {  	v3 =	vadd.s32 v1, v3;
	_ =	sdelay $0x2  }
0x166: {  	[tilespmem:s14], [sflag:$0x1] =	stream.indirect_vreg.gather [hbm4b:s3+s2], $0x80, v4, vm0, $0xb8;
	[tilespmem:$0x18200] =	vst v63  }
0x167: {  	_ = 	snop  }
0x168: {  	[tilespmem:s15], [sflag:$0x1] =	stream.indirect_vreg.gather [hbm4b:s3+s2], $0x80, v3, vm0, $0xb8;
	[tilespmem:$0x18200] =	vst v63  }
0x169: {  	v3 =	vld [tilespmem:$0x1D0];
	_ =	sdelay $0x4  }
0x16a: {  	v61 =	vshll.u32 v3, $0x1  }
0x16b: {  	v3 =	vand.u32 $0x7, v3;
	v4 =	vand.u32 $0xFFFFFFF0, v61  }
0x16c: {  	v3 =	vor.u32 v3, v4  }
0x16d: {  	v4 =	vperm.xlane v3, v0;
	_ =	sdelay $0x1  }
0x16e: {  	v3 =	vperm.xlane v3, v2;
	v4 =	vadd.s32 v1, v4;
	_ =	sdelay $0x1  }
0x16f: {  	v3 =	vadd.s32 v1, v3;
	_ =	sdelay $0x2  }
0x170: {  	[tilespmem:s16], [sflag:$0x1] =	stream.indirect_vreg.gather [hbm4b:s3+s2], $0x80, v4, vm0, $0xb8;
	[tilespmem:$0x18200] =	vst v63  }
0x171: {  	_ = 	snop  }
0x172: {  	[tilespmem:s17], [sflag:$0x1] =	stream.indirect_vreg.gather [hbm4b:s3+s2], $0x80, v3, vm0, $0xb8;
	[tilespmem:$0x18200] =	vst v63  }
0x173: {  	v3 =	vld [tilespmem:$0x1E0];
	_ =	sdelay $0x4  }
0x174: {  	v62 =	vshll.u32 v3, $0x1  }
0x175: {  	v3 =	vand.u32 $0x7, v3;
	v4 =	vand.u32 $0xFFFFFFF0, v62  }
0x176: {  	v3 =	vor.u32 v3, v4  }
0x177: {  	v4 =	vperm.xlane v3, v0;
	_ =	sdelay $0x1  }
0x178: {  	v3 =	vperm.xlane v3, v2;
	v4 =	vadd.s32 v1, v4;
	_ =	sdelay $0x1  }
0x179: {  	v3 =	vadd.s32 v1, v3;
	_ =	sdelay $0x2  }
0x17a: {  	[tilespmem:s18], [sflag:$0x1] =	stream.indirect_vreg.gather [hbm4b:s3+s2], $0x80, v4, vm0, $0xb8;
	[tilespmem:$0x18200] =	vst v63  }
0x17b: {  	_ = 	snop  }
0x17c: {  	[tilespmem:s19], [sflag:$0x1] =	stream.indirect_vreg.gather [hbm4b:s3+s2], $0x80, v3, vm0, $0xb8;
	[tilespmem:$0x18200] =	vst v63  }
0x17d: {  	v3 =	vld [tilespmem:$0x1F0];
	_ =	sdelay $0x4  }
0x17e: {  	v63 =	vshll.u32 v3, $0x1  }
0x17f: {  	v3 =	vand.u32 $0x7, v3;
	v4 =	vand.u32 $0xFFFFFFF0, v63  }
0x180: {  	v3 =	vor.u32 v3, v4  }
0x181: {  	v4 =	vperm.xlane v3, v0;
	_ =	sdelay $0x1  }
0x182: {  	v3 =	vperm.xlane v3, v2;
	v4 =	vadd.s32 v1, v4;
	_ =	sdelay $0x1  }
0x183: {  	v3 =	vadd.s32 v1, v3;
	_ =	sdelay $0x2  }
0x184: {  	[tilespmem:s20], [sflag:$0x1] =	stream.indirect_vreg.gather [hbm4b:s3+s2], $0x80, v4, vm0, $0xb8;
	[tilespmem:$0x18200] =	vst v63  }
0x185: {  	_ = 	snop  }
0x186: {  	[tilespmem:s21], [sflag:$0x1] =	stream.indirect_vreg.gather [hbm4b:s3+s2], $0x80, v3, vm0, $0xb8;
	[tilespmem:$0x18200] =	vst v63  }
0x187: {  	_ =	swait.ge [sflag:s31], $0x4000  }
0x188: {  	[sflag:s31] =	ssyncset.done $0x0  }
0x189: {  	s26 =	rddreg [dreg:$0x6];
	[sflag:s31] =	ssyncadd.s32 $0xFFFFC000  }
0x18a: {  	[hbm4b:s26+s2] =	stream.linear.scatter [tilespmem:s22], [sflag:$0x2], $0x4000, $0x38;
	[tilespmem:$0x18200] =	vst v63  }
0x18b: {  	_ =	swait.ge [sflag:s31], $0x4000  }
0x18c: {  	[sflag:s31] =	ssyncset.done $0x0  }
0x18d: {  	s26 =	rddreg [dreg:$0x7];
	[sflag:s31] =	ssyncadd.s32 $0xFFFFC000  }
0x18e: {  	[hbm4b:s26+s2] =	stream.linear.scatter [tilespmem:s23], [sflag:$0x2], $0x4000, $0x38;
	[tilespmem:$0x18200] =	vst v63  }
0x18f: {  	_ =	swait.ge [sflag:s31], $0x4000  }
0x190: {  	[sflag:s31] =	ssyncset.done $0x0  }
0x191: {  	s26 =	rddreg [dreg:$0x8];
	[sflag:s31] =	ssyncadd.s32 $0xFFFFC000  }
0x192: {  	[hbm4b:s26+s2] =	stream.linear.scatter [tilespmem:s24], [sflag:$0x2], $0x4000, $0x38;
	[tilespmem:$0x18200] =	vst v63  }
0x193: {  	_ =	swait.ge [sflag:s31], $0x4000  }
0x194: {  	[sflag:s31] =	ssyncset.done $0x0  }
0x195: {  	s26 =	rddreg [dreg:$0x9];
	[sflag:s31] =	ssyncadd.s32 $0xFFFFC000  }
0x196: {  	[hbm4b:s26+s2] =	stream.linear.scatter [tilespmem:s25], [sflag:$0x2], $0x4000, $0x38;
	[tilespmem:$0x18200] =	vst v63  }
0x197: {  	_ =	swait.ge [sflag:s31], $0x4000  }
0x198: {  	[sflag:s31] =	ssyncset.done $0x0  }
0x199: {  	s26 =	rddreg [dreg:$0xa];
	[sflag:s31] =	ssyncadd.s32 $0xFFFFC000  }
0x19a: {  	[hbm4b:s26+s2] =	stream.linear.scatter [tilespmem:s6], [sflag:$0x2], $0x4000, $0x38;
	[tilespmem:$0x18200] =	vst v63  }
0x19b: {  	_ =	swait.ge [sflag:s31], $0x4000  }
0x19c: {  	[sflag:s31] =	ssyncset.done $0x0  }
0x19d: {  	s26 =	rddreg [dreg:$0xb];
	[sflag:s31] =	ssyncadd.s32 $0xFFFFC000  }
0x19e: {  	[hbm4b:s26+s2] =	stream.linear.scatter [tilespmem:s14], [sflag:$0x2], $0x4000, $0x38;
	[tilespmem:$0x18200] =	vst v63  }
0x19f: {  	_ =	swait.ge [sflag:s1], $0x4000  }
0x1a0: {  	[sflag:s1] =	ssyncset.done $0x0  }
0x1a1: {  	[sflag:s1] =	ssyncadd.s32 $0xFFFFC000  }
0x1a2: {  	_ =	swait.ge [sflag:s1], $0x4000  }
0x1a3: {  	[sflag:s1] =	ssyncset.done $0x0  }
0x1a4: {  	[sflag:s1] =	ssyncadd.s32 $0xFFFFC000  }
0x1a5: {  	_ =	swait.ge [sflag:s1], $0x4000  }
0x1a6: {  	[sflag:s1] =	ssyncset.done $0x0  }
0x1a7: {  	[sflag:s1] =	ssyncadd.s32 $0xFFFFC000  }
0x1a8: {  	_ =	swait.ge [sflag:s1], $0x4000  }
0x1a9: {  	[sflag:s1] =	ssyncset.done $0x0  }
0x1aa: {  	[sflag:s1] =	ssyncadd.s32 $0xFFFFC000  }
0x1ab: {  	p0 =	sne.s32 s4, $0x1;
	_ =	swait.ge [sflag:s1], $0x4000  }
.Ltmp0:
0x1ac: {  	[sflag:s1] =	ssyncset.done $0x0;
	(pc) =	sbr.rel @p0 .LBB2_1-.Ltmp0, $4  }
0x1ad: {  	[sflag:s1] =	ssyncadd.s32 $0xFFFFC000  }
0x1ae: {  	_ =	swait.ge [sflag:s1], $0x4000  }
0x1af: {  	[sflag:s1] =	ssyncset.done $0x0  }
0x1b0: {  	s4 =	sadd.s32 $0xFFFFFFFF, s4;
	[sflag:s1] =	ssyncadd.s32 $0xFFFFC000  }
0x1b1: {  	_ =	sfence.sel $0x180000  }
0x1b2: {  	[bflag:$0x0] =	sbarrier.arrive $0xFFFF  }
0x1b3: {  	_ =	strace $0x90000047  }
0x1b4: {  	s0 =	stileid.u32;
	[bflag:$0x2] =	sbarrier.arrive $0xFFFF  }
0x1b5: {  	p0 =	sne.s32 s0, $0x0;
	s0 =	rddreg [dreg:$0x2]  }
0x1b6: {  	s0 =	sadd.s32 @!p0 $0x100000, s0  }
0x1b7: {  	[sflag:s0] =	ssyncadd.tile.s32 @!p0 $0x1;
	_ =	shalt  }
.Lfunc_end2:
_tile_overlayer_lowered:
.L_overlay_start_2:
0x1b8: {  	(tag) =	ssettag $0x2  }
0x1b9: {  	s0 =	rddreg [dreg:$0x0];
	s2 =	stileid.u32  }
0x1ba: {  	s1 =	rddreg [dreg:$0x1];
	p0 =	sne.s32 s2, $0x0  }
0x1bb: {  	s3 =	rddreg [dreg:$0x2];
	[bflag:$0x3] =	sbarrier.arrive $0xFFFF;
	s2 =	simm.s32 @!p0 $0x1C03  }
0x1bc: {  	[timem:s3], [sflag:s2] =	dma.local @!p0 [hbm:s0], s1  }
0x1bd: {  	s0 =	simm.s32 @!p0 $0x3  }
0x1be: {  	_ =	swait.ge @!p0 [sflag:s0], s1  }
0x1bf: {  	s1 =	ssub.s32 @!p0 $0x0, s1;
	[sflag:s0] =	ssyncset.done @!p0 $0x0  }
0x1c0: {  	[sflag:s0] =	ssyncadd.s32 @!p0 s1  }
0x1c1: {  	[bflag:$0x3] =	sbarrier.arrive $0xFFFF  }
0x1c2: {  	_ =	shalt  }

</sc_bundles>
